<compile_context>
chip_gen: v7x
topology: tpu7x:2x2x1
jax: 0.10.2.dev20260603
libtpu: 0.0.44.dev20260713+nightly
codegen_flags: <defaults>
</compile_context>

<pallas_src>
import functools

import jax
import jax.numpy as jnp
from jax import lax
from jax.experimental import pallas as pl
from jax.experimental.pallas import tpu as pltpu
from jax.experimental.pallas import tpu_sc as plsc

L = 50
B = 1024
EMBED = 64
HIDDEN = 128



def _make_sc_gather(embed, n_ids):
    info = plsc.get_sparse_core_info()
    nc, ns = info.num_cores, info.num_subcores
    nw = nc * ns
    assert n_ids % nw == 0
    b_per_w = n_ids // nw
    assert b_per_w % 8 == 0

    mesh = plsc.VectorSubcoreMesh(core_axis_name="c", subcore_axis_name="s")

    @functools.partial(
        pl.kernel,
        mesh=mesh,
        out_type=jax.ShapeDtypeStruct((n_ids, 2 * embed), jnp.float32),
        scratch_types=[
            pltpu.VMEM((b_per_w,), jnp.int32),
            pltpu.VMEM((b_per_w, embed), jnp.float32),
            pltpu.SemaphoreType.DMA,
        ],
        compiler_params=pltpu.CompilerParams(use_tc_tiling_on_sc=False),
    )
    def gather(table_hbm, idx_hbm, out_hbm, idx_v, rows_v, sem):
        wid = lax.axis_index("s") * nc + lax.axis_index("c")
        base = wid * b_per_w
        pltpu.sync_copy(idx_hbm.at[pl.ds(base, b_per_w)], idx_v)
        pltpu.async_copy(table_hbm.at[idx_v], rows_v, sem).wait()
        pltpu.sync_copy(rows_v, out_hbm.at[pl.ds(base, b_per_w), 0:embed])

    return gather



def _gru_tc_body(emb_ref, wih_f, whh_f, bih_f, bhh_f, wih_b, whh_b, bih_b,
                 bhh_b, out_ref):
    Bb = emb_ref.shape[1]
    H = HIDDEN

    wihf = wih_f[...]
    whhf = whh_f[...]
    wihb = wih_b[...]
    whhb = whh_b[...]
    bihf = bih_f[...]
    bhhf = bhh_f[...]
    bihb = bih_b[...]
    bhhb = bhh_b[...]

    def sig(v):
        return 0.5 * jnp.tanh(0.5 * v) + 0.5

    def gru_step(xp, h, whh, bhh):
        gh = jnp.dot(h.astype(jnp.bfloat16), whh,
                     preferred_element_type=jnp.float32) + bhh
        r = sig(xp[:, 0:H] + gh[:, 0:H])
        z = sig(xp[:, H:2 * H] + gh[:, H:2 * H])
        n = jnp.tanh(xp[:, 2 * H:3 * H] + r * gh[:, 2 * H:3 * H])
        return (1.0 - z) * n + z * h

    def xproj(t, wih, bih):
        return jnp.dot(emb_ref[t].astype(jnp.bfloat16), wih,
                       preferred_element_type=jnp.float32) + bih

    def step(t, carry):
        h_f, h_b = carry
        h_f = gru_step(xproj(t, wihf, bihf), h_f, whhf, bhhf)
        out_ref[t, :, 0:H] = h_f
        tb = L - 1 - t
        h_b = gru_step(xproj(tb, wihb, bihb), h_b, whhb, bhhb)
        out_ref[tb, :, H:2 * H] = h_b
        return h_f, h_b

    h0 = jnp.zeros((Bb, H), jnp.float32)
    lax.fori_loop(0, L, step, (h0, h0), unroll=2)


def _make_tc_gru(bb):
    grid = (B // bb,)
    full = lambda i: (0, 0)
    return pl.pallas_call(
        _gru_tc_body,
        grid=grid,
        in_specs=[
            pl.BlockSpec((L, bb, 2 * EMBED), lambda i: (0, i, 0)),
            pl.BlockSpec((2 * EMBED, 3 * HIDDEN), full),
            pl.BlockSpec((HIDDEN, 3 * HIDDEN), full),
            pl.BlockSpec((1, 3 * HIDDEN), full),
            pl.BlockSpec((1, 3 * HIDDEN), full),
            pl.BlockSpec((2 * EMBED, 3 * HIDDEN), full),
            pl.BlockSpec((HIDDEN, 3 * HIDDEN), full),
            pl.BlockSpec((1, 3 * HIDDEN), full),
            pl.BlockSpec((1, 3 * HIDDEN), full),
        ],
        out_specs=pl.BlockSpec((L, bb, 2 * HIDDEN), lambda i: (0, i, 0)),
        out_shape=jax.ShapeDtypeStruct((L, B, 2 * HIDDEN), jnp.float32),
        compiler_params=pltpu.CompilerParams(
            dimension_semantics=("arbitrary",),
        ),
    )


_BB = 256



def _gru_stream_body(emb_hbm, wih_f, whh_f, bih_f, bhh_f, wih_b, whh_b,
                     bih_b, bhh_b, out_hbm, xbuf, obuf, isem, osem):
    H = HIDDEN

    wihf = wih_f[...]
    whhf = whh_f[...]
    wihb = wih_b[...]
    whhb = whh_b[...]
    bihf = bih_f[...]
    bhhf = bhh_f[...]
    bihb = bih_b[...]
    bhhb = bhh_b[...]

    def in_copy(slot, d, t):
        return pltpu.make_async_copy(
            emb_hbm.at[t], xbuf.at[slot, d], isem.at[slot, d])

    def out_copy(slot, d, t):
        return pltpu.make_async_copy(
            obuf.at[slot, d], out_hbm.at[t, :, pl.ds(d * H, H)],
            osem.at[slot, d])

    def sig(v):
        return 0.5 * jnp.tanh(0.5 * v) + 0.5

    def gru_step(x, h, wih, whh, bih, bhh):
        xp = jnp.dot(x[:, 0:EMBED].astype(jnp.bfloat16), wih,
                     preferred_element_type=jnp.float32) + bih
        gh = jnp.dot(h.astype(jnp.bfloat16), whh,
                     preferred_element_type=jnp.float32) + bhh
        r = sig(xp[:, 0:H] + gh[:, 0:H])
        z = sig(xp[:, H:2 * H] + gh[:, H:2 * H])
        n = jnp.tanh(xp[:, 2 * H:3 * H] + r * gh[:, 2 * H:3 * H])
        return (1.0 - z) * n + z * h

    in_copy(0, 0, 0).start()
    in_copy(0, 1, L - 1).start()

    def step(t, carry):
        h_f, h_b = carry
        slot = lax.rem(t, 2)
        nslot = 1 - slot

        @pl.when(t < L - 1)
        def _():
            in_copy(nslot, 0, t + 1).start()
            in_copy(nslot, 1, L - 2 - t).start()

        in_copy(slot, 0, t).wait()
        in_copy(slot, 1, L - 1 - t).wait()

        @pl.when(t >= 2)
        def _():
            out_copy(slot, 0, t - 2).wait()
            out_copy(slot, 1, L + 1 - t).wait()

        h_f = gru_step(xbuf[slot, 0], h_f, wihf, whhf, bihf, bhhf)
        h_b = gru_step(xbuf[slot, 1], h_b, wihb, whhb, bihb, bhhb)
        obuf[slot, 0] = h_f
        obuf[slot, 1] = h_b
        out_copy(slot, 0, t).start()
        out_copy(slot, 1, L - 1 - t).start()
        return h_f, h_b

    h0 = jnp.zeros((B, H), jnp.float32)
    lax.fori_loop(0, L, step, (h0, h0), unroll=2)

    out_copy(0, 0, L - 2).wait()
    out_copy(0, 1, 1).wait()
    out_copy(1, 0, L - 1).wait()
    out_copy(1, 1, 0).wait()


def _make_tc_gru_stream():
    vm = pl.BlockSpec(memory_space=pltpu.VMEM)
    return pl.pallas_call(
        _gru_stream_body,
        in_specs=[pl.BlockSpec(memory_space=pl.ANY),
                  vm, vm, vm, vm, vm, vm, vm, vm],
        out_specs=pl.BlockSpec(memory_space=pl.ANY),
        out_shape=jax.ShapeDtypeStruct((L, B, 2 * HIDDEN), jnp.float32),
        scratch_shapes=[
            pltpu.VMEM((2, 2, B, 2 * EMBED), jnp.float32),
            pltpu.VMEM((2, 2, B, HIDDEN), jnp.float32),
            pltpu.SemaphoreType.DMA((2, 2)),
            pltpu.SemaphoreType.DMA((2, 2)),
        ],
    )


def kernel(input_seq, input_len, emb_table, W_ih_f, W_hh_f, b_ih_f, b_hh_f,
           W_ih_b, W_hh_b, b_ih_b, b_hh_b):
    del input_len
    embed = emb_table.shape[1]
    ids = input_seq.reshape(-1).astype(jnp.int32)

    rows = _make_sc_gather(embed, ids.shape[0])(emb_table, ids)
    emb = rows.reshape(L, B, 2 * embed)

    bf16 = jnp.bfloat16
    out = _make_tc_gru_stream()(
        emb,
        W_ih_f.T.astype(bf16), W_hh_f.T.astype(bf16),
        b_ih_f[None, :], b_hh_f[None, :],
        W_ih_b.T.astype(bf16), W_hh_b.T.astype(bf16),
        b_ih_b[None, :], b_hh_b[None, :])
    return out

# --- scband reference (transcript-rebuilt; emitter-appended) ---
"""Pipeline reference for scband-decoder-rnn-66451734003966 (READ-ONLY COPY).

The authoritative reference and input builder live on the scoring server;
editing this copy changes nothing except your own understanding.
"""

import jax, jax.numpy as jnp
import numpy as np

VOCAB = 100000
EMBED = 64
HIDDEN = 128
L = 50
B = 1024


def _gru_scan(x_seq, W_ih, W_hh, b_ih, b_hh, reverse=False):
    Bsz = x_seq.shape[1]
    H = W_hh.shape[1]
    # precompute input projections for all timesteps: [L, B, 3H]
    x_proj = jnp.einsum('lbe,ge->lbg', x_seq, W_ih) + b_ih

    def step(h, xp):
        gh = h @ W_hh.T + b_hh
        xr, xz, xn = jnp.split(xp, 3, axis=-1)
        hr, hz, hn = jnp.split(gh, 3, axis=-1)
        r = jax.nn.sigmoid(xr + hr)
        z = jax.nn.sigmoid(xz + hz)
        n = jnp.tanh(xn + r * hn)
        h_new = (1.0 - z) * n + z * h
        return h_new, h_new

    h0 = jnp.zeros((Bsz, H), x_seq.dtype)
    _, ys = jax.lax.scan(step, h0, x_proj, reverse=reverse)
    return ys


def setup_inputs(seed: int = 0):
    key = jax.random.key(seed)
    ks = jax.random.split(key, 11)
    s = 0.05
    return {
        'input_seq': jax.random.randint(ks[0], (L, B), 0, VOCAB),
        'input_len': jax.random.randint(ks[1], (B,), 1, L + 1),
        'emb_table': jax.random.normal(ks[2], (VOCAB, EMBED), jnp.float32) * s,
        'W_ih_f': jax.random.normal(ks[3], (3 * HIDDEN, EMBED), jnp.float32) * s,
        'W_hh_f': jax.random.normal(ks[4], (3 * HIDDEN, HIDDEN), jnp.float32) * s,
        'b_ih_f': jnp.zeros((3 * HIDDEN,), jnp.float32),
        'b_hh_f': jnp.zeros((3 * HIDDEN,), jnp.float32),
        'W_ih_b': jax.random.normal(ks[5], (3 * HIDDEN, EMBED), jnp.float32) * s,
        'W_hh_b': jax.random.normal(ks[6], (3 * HIDDEN, HIDDEN), jnp.float32) * s,
        'b_ih_b': jnp.zeros((3 * HIDDEN,), jnp.float32),
        'b_hh_b': jnp.zeros((3 * HIDDEN,), jnp.float32),
    }


def reference(input_seq, input_len, emb_table, W_ih_f, W_hh_f, b_ih_f, b_hh_f, W_ih_b, W_hh_b, b_ih_b, b_hh_b):
    # embedding lookup: [L, B] -> [L, B, E]
    embedded = jnp.take(emb_table, input_seq, axis=0)
    # bidirectional GRU (seq-first, matching torch nn.GRU defaults)
    out_f = _gru_scan(embedded, W_ih_f, W_hh_f, b_ih_f, b_hh_f, reverse=False)
    out_b = _gru_scan(embedded, W_ih_b, W_hh_b, b_ih_b, b_hh_b, reverse=True)
    outputs = jnp.concatenate([out_f, out_b], axis=-1)  # [L, B, 2H]
    return outputs

if __name__ == "__main__":
    import jax
    _d = setup_inputs()
    print(jax.jit(kernel)(*tuple(_d.values())))

</pallas_src>

<mosaic_0001>
#map = affine_map<(d0, d1) -> (0, 0)>
#map1 = affine_map<(d0, d1) -> (0)>
module attributes {stable_mosaic.version = 14 : i64} {
  func.func @gather(%arg0: i32, %arg1: i32, %arg2: memref<100000x64xf32, #tpu.memory_space<hbm>>, %arg3: memref<51200xi32, #tpu.memory_space<hbm>>, %arg4: memref<51200x128xf32, #tpu.memory_space<hbm>>, %arg5: memref<1600xi32, #tpu.memory_space<vmem>>, %arg6: memref<1600x64xf32, #tpu.memory_space<vmem>>, %arg7: memref<!tpu.dma_semaphore, #tpu.memory_space<semaphore_mem>>) attributes {dimension_semantics = [#tpu.dimension_semantics<core_parallel>, #tpu.dimension_semantics<subcore_parallel>], iteration_bounds = array<i64: 2, 16>, scalar_prefetch = 0 : i64, scratch_operands = 3 : i64, tpu.core_type = #tpu.core_type<sc_vector_subcore>, window_params = [{transform_indices = #map}, {transform_indices = #map1}, {transform_indices = #map}]} {
    %mul3A = arith.constant 2 : i32
    %mul3A_0 = arith.muli %arg1, %mul3A : i32
    %add3A = arith.addi %mul3A_0, %arg0 : i32
    %mul3A_1 = arith.constant 1600 : i32
    %mul3A_2 = arith.muli %add3A, %mul3A_1 : i32
    "tpu.region"() ({
      %run_scoped3A = tpu.sem_alloc : memref<!tpu.dma_semaphore, #tpu.memory_space<semaphore_mem>>
      %dma_start3A_7 = tpu.memref_slice %arg3[%mul3A_2] : memref<51200xi32, #tpu.memory_space<hbm>> -> memref<1600xi32, #tpu.memory_space<hbm>>
      %dma_start3A_8 = tpu.memref_slice %arg3[%mul3A_2] : memref<51200xi32, #tpu.memory_space<hbm>> -> memref<1600xi32, #tpu.memory_space<hbm>>
      tpu.enqueue_dma source(%dma_start3A_8 : memref<1600xi32, #tpu.memory_space<hbm>>) target(%arg5 : memref<1600xi32, #tpu.memory_space<vmem>>) target_semaphore(%run_scoped3A : memref<!tpu.dma_semaphore, #tpu.memory_space<semaphore_mem>>)
      %dma_wait3A_9 = tpu.memref_slice %arg3[%mul3A_2] : memref<51200xi32, #tpu.memory_space<hbm>> -> memref<1600xi32, #tpu.memory_space<hbm>>
      %dma_wait3A_10 = tpu.memref_slice %arg3[%mul3A_2] : memref<51200xi32, #tpu.memory_space<hbm>> -> memref<1600xi32, #tpu.memory_space<hbm>>
      tpu.wait_dma2 semaphore(%run_scoped3A : memref<!tpu.dma_semaphore, #tpu.memory_space<semaphore_mem>>) src(%dma_wait3A_10 : memref<1600xi32, #tpu.memory_space<hbm>>) dst(%arg5 : memref<1600xi32, #tpu.memory_space<vmem>>)
      tpu.yield
    }) : () -> ()
    %dma_start3A = arith.constant 0 : i32
    %dma_start3A_3 = arith.constant 0 : i32
    %dma_start3A_4 = tpu.memref_slice %arg2[%dma_start3A, %dma_start3A_3] : memref<100000x64xf32, #tpu.memory_space<hbm>> -> memref<100000x64xf32, #tpu.memory_space<hbm>>
    tpu.enqueue_indirect_dma source(%dma_start3A_4 : memref<100000x64xf32, #tpu.memory_space<hbm>>) target(%arg6 : memref<1600x64xf32, #tpu.memory_space<vmem>>) offsets(%arg5 : memref<1600xi32, #tpu.memory_space<vmem>>) semaphore(%arg7 : memref<!tpu.dma_semaphore, #tpu.memory_space<semaphore_mem>>)
    %dma_wait3A = arith.constant 0 : i32
    %dma_wait3A_5 = arith.constant 0 : i32
    %dma_wait3A_6 = tpu.memref_slice %arg2[%dma_wait3A, %dma_wait3A_5] : memref<100000x64xf32, #tpu.memory_space<hbm>> -> memref<100000x64xf32, #tpu.memory_space<hbm>>
    tpu.wait_indirect_dma semaphore(%arg7 : memref<!tpu.dma_semaphore, #tpu.memory_space<semaphore_mem>>) src(%dma_wait3A_6 : memref<100000x64xf32, #tpu.memory_space<hbm>>) dst(%arg6 : memref<1600x64xf32, #tpu.memory_space<vmem>>)
    "tpu.region"() ({
      %run_scoped3A = tpu.sem_alloc : memref<!tpu.dma_semaphore, #tpu.memory_space<semaphore_mem>>
      %dma_start3A_7 = arith.constant 0 : i32
      %dma_start3A_8 = tpu.memref_slice %arg4[%mul3A_2, %dma_start3A_7] : memref<51200x128xf32, #tpu.memory_space<hbm>> -> memref<1600x64xf32, #tpu.memory_space<hbm>>
      %dma_start3A_9 = arith.constant 0 : i32
      %dma_start3A_10 = tpu.memref_slice %arg4[%mul3A_2, %dma_start3A_9] : memref<51200x128xf32, #tpu.memory_space<hbm>> -> memref<1600x64xf32, #tpu.memory_space<hbm>>
      tpu.enqueue_dma source(%arg6 : memref<1600x64xf32, #tpu.memory_space<vmem>>) target(%dma_start3A_10 : memref<1600x64xf32, #tpu.memory_space<hbm>>) target_semaphore(%run_scoped3A : memref<!tpu.dma_semaphore, #tpu.memory_space<semaphore_mem>>)
      %dma_wait3A_11 = arith.constant 0 : i32
      %dma_wait3A_12 = tpu.memref_slice %arg4[%mul3A_2, %dma_wait3A_11] : memref<51200x128xf32, #tpu.memory_space<hbm>> -> memref<1600x64xf32, #tpu.memory_space<hbm>>
      %dma_wait3A_13 = arith.constant 0 : i32
      %dma_wait3A_14 = tpu.memref_slice %arg4[%mul3A_2, %dma_wait3A_13] : memref<51200x128xf32, #tpu.memory_space<hbm>> -> memref<1600x64xf32, #tpu.memory_space<hbm>>
      tpu.wait_dma2 semaphore(%run_scoped3A : memref<!tpu.dma_semaphore, #tpu.memory_space<semaphore_mem>>) src(%arg6 : memref<1600x64xf32, #tpu.memory_space<vmem>>) dst(%dma_wait3A_14 : memref<1600x64xf32, #tpu.memory_space<hbm>>)
      tpu.yield
    }) : () -> ()
    return
  }
}

module attributes {stable_mosaic.version = 14 : i64} {
  func.func @_gru_stream_body(%arg0: memref<50x1024x128xf32, #tpu.memory_space<any>>, %arg1: memref<64x384xbf16, #tpu.memory_space<vmem>>, %arg2: memref<128x384xbf16, #tpu.memory_space<vmem>>, %arg3: memref<1x384xf32, #tpu.memory_space<vmem>>, %arg4: memref<1x384xf32, #tpu.memory_space<vmem>>, %arg5: memref<64x384xbf16, #tpu.memory_space<vmem>>, %arg6: memref<128x384xbf16, #tpu.memory_space<vmem>>, %arg7: memref<1x384xf32, #tpu.memory_space<vmem>>, %arg8: memref<1x384xf32, #tpu.memory_space<vmem>>, %arg9: memref<50x1024x256xf32, #tpu.memory_space<any>>, %arg10: memref<2x2x1024x128xf32, #tpu.memory_space<vmem>>, %arg11: memref<2x2x1024x128xf32, #tpu.memory_space<vmem>>, %arg12: memref<2x2x!tpu.dma_semaphore, #tpu.memory_space<semaphore_mem>>, %arg13: memref<2x2x!tpu.dma_semaphore, #tpu.memory_space<semaphore_mem>>) attributes {dimension_semantics = [], scalar_prefetch = 0 : i64, scratch_operands = 4 : i64, tpu.core_type = #tpu.core_type<tc>} {
    %get3A = arith.constant 0 : index
    %get3A_0 = arith.constant 0 : index
    %get3A_1 = vector.load %arg1[%get3A, %get3A_0] : memref<64x384xbf16, #tpu.memory_space<vmem>>, vector<64x384xbf16>
    %get3A_2 = arith.constant 0 : index
    %get3A_3 = arith.constant 0 : index
    %get3A_4 = vector.load %arg2[%get3A_2, %get3A_3] : memref<128x384xbf16, #tpu.memory_space<vmem>>, vector<128x384xbf16>
    %get3A_5 = arith.constant 0 : index
    %get3A_6 = arith.constant 0 : index
    %get3A_7 = vector.load %arg5[%get3A_5, %get3A_6] : memref<64x384xbf16, #tpu.memory_space<vmem>>, vector<64x384xbf16>
    %get3A_8 = arith.constant 0 : index
    %get3A_9 = arith.constant 0 : index
    %get3A_10 = vector.load %arg6[%get3A_8, %get3A_9] : memref<128x384xbf16, #tpu.memory_space<vmem>>, vector<128x384xbf16>
    %get3A_11 = arith.constant 0 : index
    %get3A_12 = arith.constant 0 : index
    %get3A_13 = vector.load %arg3[%get3A_11, %get3A_12] : memref<1x384xf32, #tpu.memory_space<vmem>>, vector<1x384xf32>
    %get3A_14 = arith.constant 0 : index
    %get3A_15 = arith.constant 0 : index
    %get3A_16 = vector.load %arg4[%get3A_14, %get3A_15] : memref<1x384xf32, #tpu.memory_space<vmem>>, vector<1x384xf32>
    %get3A_17 = arith.constant 0 : index
    %get3A_18 = arith.constant 0 : index
    %get3A_19 = vector.load %arg7[%get3A_17, %get3A_18] : memref<1x384xf32, #tpu.memory_space<vmem>>, vector<1x384xf32>
    %get3A_20 = arith.constant 0 : index
    %get3A_21 = arith.constant 0 : index
    %get3A_22 = vector.load %arg8[%get3A_20, %get3A_21] : memref<1x384xf32, #tpu.memory_space<vmem>>, vector<1x384xf32>
    %dma_start3A = arith.constant 0 : i32
    %dma_start3A_23 = arith.constant 0 : i32
    %dma_start3A_24 = arith.constant 0 : i32
    %dma_start3A_25 = arith.constant 0 : i32
    %dma_start3A_26 = arith.constant 0 : i32
    %dma_start3A_27 = tpu.memref_slice %arg12[%dma_start3A_25, %dma_start3A_26] : memref<2x2x!tpu.dma_semaphore, #tpu.memory_space<semaphore_mem>> -> memref<1x1x!tpu.dma_semaphore, #tpu.memory_space<semaphore_mem>>
    %dma_start3A_28 = tpu.memref_squeeze %dma_start3A_27 : memref<1x1x!tpu.dma_semaphore, #tpu.memory_space<semaphore_mem>> -> memref<!tpu.dma_semaphore, #tpu.memory_space<semaphore_mem>>
    %dma_start3A_29 = arith.constant 0 : i32
    %dma_start3A_30 = arith.constant 0 : i32
    %dma_start3A_31 = tpu.memref_slice %arg10[%dma_start3A_23, %dma_start3A_24, %dma_start3A_29, %dma_start3A_30] : memref<2x2x1024x128xf32, #tpu.memory_space<vmem>> -> memref<1x1x1024x128xf32, #tpu.memory_space<vmem>>
    %dma_start3A_32 = tpu.memref_squeeze %dma_start3A_31 : memref<1x1x1024x128xf32, #tpu.memory_space<vmem>> -> memref<1024x128xf32, #tpu.memory_space<vmem>>
    %dma_start3A_33 = arith.constant 0 : i32
    %dma_start3A_34 = arith.constant 0 : i32
    %dma_start3A_35 = tpu.memref_slice %arg0[%dma_start3A, %dma_start3A_33, %dma_start3A_34] : memref<50x1024x128xf32, #tpu.memory_space<any>> -> memref<1x1024x128xf32, #tpu.memory_space<any>>
    %dma_start3A_36 = tpu.memref_squeeze %dma_start3A_35 : memref<1x1024x128xf32, #tpu.memory_space<any>> -> memref<1024x128xf32, #tpu.memory_space<any>>
    tpu.enqueue_dma source(%dma_start3A_36 : memref<1024x128xf32, #tpu.memory_space<any>>) target(%dma_start3A_32 : memref<1024x128xf32, #tpu.memory_space<vmem>>) target_semaphore(%dma_start3A_28 : memref<!tpu.dma_semaphore, #tpu.memory_space<semaphore_mem>>)
    %dma_start3A_37 = arith.constant 49 : i32
    %dma_start3A_38 = arith.constant 0 : i32
    %dma_start3A_39 = arith.constant 1 : i32
    %dma_start3A_40 = arith.constant 0 : i32
    %dma_start3A_41 = arith.constant 1 : i32
    %dma_start3A_42 = tpu.memref_slice %arg12[%dma_start3A_40, %dma_start3A_41] : memref<2x2x!tpu.dma_semaphore, #tpu.memory_space<semaphore_mem>> -> memref<1x1x!tpu.dma_semaphore, #tpu.memory_space<semaphore_mem>>
    %dma_start3A_43 = tpu.memref_squeeze %dma_start3A_42 : memref<1x1x!tpu.dma_semaphore, #tpu.memory_space<semaphore_mem>> -> memref<!tpu.dma_semaphore, #tpu.memory_space<semaphore_mem>>
    %dma_start3A_44 = arith.constant 0 : i32
    %dma_start3A_45 = arith.constant 0 : i32
    %dma_start3A_46 = tpu.memref_slice %arg10[%dma_start3A_38, %dma_start3A_39, %dma_start3A_44, %dma_start3A_45] : memref<2x2x1024x128xf32, #tpu.memory_space<vmem>> -> memref<1x1x1024x128xf32, #tpu.memory_space<vmem>>
    %dma_start3A_47 = tpu.memref_squeeze %dma_start3A_46 : memref<1x1x1024x128xf32, #tpu.memory_space<vmem>> -> memref<1024x128xf32, #tpu.memory_space<vmem>>
    %dma_start3A_48 = arith.constant 0 : i32
    %dma_start3A_49 = arith.constant 0 : i32
    %dma_start3A_50 = tpu.memref_slice %arg0[%dma_start3A_37, %dma_start3A_48, %dma_start3A_49] : memref<50x1024x128xf32, #tpu.memory_space<any>> -> memref<1x1024x128xf32, #tpu.memory_space<any>>
    %dma_start3A_51 = tpu.memref_squeeze %dma_start3A_50 : memref<1x1024x128xf32, #tpu.memory_space<any>> -> memref<1024x128xf32, #tpu.memory_space<any>>
    tpu.enqueue_dma source(%dma_start3A_51 : memref<1024x128xf32, #tpu.memory_space<any>>) target(%dma_start3A_47 : memref<1024x128xf32, #tpu.memory_space<vmem>>) target_semaphore(%dma_start3A_43 : memref<!tpu.dma_semaphore, #tpu.memory_space<semaphore_mem>>)
    %broadcast_in_dim3A = arith.constant 0.000000e+00 : f32
    %broadcast_in_dim3A_52 = vector.broadcast %broadcast_in_dim3A : f32 to vector<1024x128xf32>
    %scan3A = arith.constant 0 : i32
    %scan3A_53 = arith.constant 50 : i32
    %scan3A_54 = arith.addi %scan3A, %scan3A_53 : i32
    %scan3A_55 = arith.constant 2 : i32
    %scan3A_56:2 = scf.for %scan3A_117 = %scan3A to %scan3A_54 step %scan3A_55 iter_args(%scan3A_118 = %broadcast_in_dim3A_52, %scan3A_119 = %broadcast_in_dim3A_52) -> (vector<1024x128xf32>, vector<1024x128xf32>)  : i32 {
      %rem3A = arith.constant 2 : i32
      %rem3A_120 = arith.remsi %scan3A_117, %rem3A : i32
      %sub3A = arith.constant 1 : i32
      %sub3A_121 = arith.subi %sub3A, %rem3A_120 : i32
      %lt3A = arith.constant 49 : i32
      %lt3A_122 = arith.cmpi slt, %scan3A_117, %lt3A : i32
      %convert_element_type3A = arith.extui %lt3A_122 : i1 to i32
      %cond3A = arith.constant 0 : i32
      %cond3A_123 = arith.cmpi ne, %convert_element_type3A, %cond3A : i32
      scf.if %cond3A_123 {
        %add3A_486 = arith.constant 1 : i32
        %add3A_487 = arith.addi %scan3A_117, %add3A_486 : i32
        %dma_start3A_488 = arith.constant 0 : i32
        %dma_start3A_489 = arith.constant 0 : i32
        %dma_start3A_490 = tpu.memref_slice %arg12[%sub3A_121, %dma_start3A_489] : memref<2x2x!tpu.dma_semaphore, #tpu.memory_space<semaphore_mem>> -> memref<1x1x!tpu.dma_semaphore, #tpu.memory_space<semaphore_mem>>
        %dma_start3A_491 = tpu.memref_squeeze %dma_start3A_490 : memref<1x1x!tpu.dma_semaphore, #tpu.memory_space<semaphore_mem>> -> memref<!tpu.dma_semaphore, #tpu.memory_space<semaphore_mem>>
        %dma_start3A_492 = arith.constant 0 : i32
        %dma_start3A_493 = arith.constant 0 : i32
        %dma_start3A_494 = tpu.memref_slice %arg10[%sub3A_121, %dma_start3A_488, %dma_start3A_492, %dma_start3A_493] : memref<2x2x1024x128xf32, #tpu.memory_space<vmem>> -> memref<1x1x1024x128xf32, #tpu.memory_space<vmem>>
        %dma_start3A_495 = tpu.memref_squeeze %dma_start3A_494 : memref<1x1x1024x128xf32, #tpu.memory_space<vmem>> -> memref<1024x128xf32, #tpu.memory_space<vmem>>
        %dma_start3A_496 = arith.constant 0 : i32
        %dma_start3A_497 = arith.constant 0 : i32
        %dma_start3A_498 = tpu.memref_slice %arg0[%add3A_487, %dma_start3A_496, %dma_start3A_497] : memref<50x1024x128xf32, #tpu.memory_space<any>> -> memref<1x1024x128xf32, #tpu.memory_space<any>>
        %dma_start3A_499 = tpu.memref_squeeze %dma_start3A_498 : memref<1x1024x128xf32, #tpu.memory_space<any>> -> memref<1024x128xf32, #tpu.memory_space<any>>
        tpu.enqueue_dma source(%dma_start3A_499 : memref<1024x128xf32, #tpu.memory_space<any>>) target(%dma_start3A_495 : memref<1024x128xf32, #tpu.memory_space<vmem>>) target_semaphore(%dma_start3A_491 : memref<!tpu.dma_semaphore, #tpu.memory_space<semaphore_mem>>)
        %sub3A_500 = arith.constant 48 : i32
        %sub3A_501 = arith.subi %sub3A_500, %scan3A_117 : i32
        %dma_start3A_502 = arith.constant 1 : i32
        %dma_start3A_503 = arith.constant 1 : i32
        %dma_start3A_504 = tpu.memref_slice %arg12[%sub3A_121, %dma_start3A_503] : memref<2x2x!tpu.dma_semaphore, #tpu.memory_space<semaphore_mem>> -> memref<1x1x!tpu.dma_semaphore, #tpu.memory_space<semaphore_mem>>
        %dma_start3A_505 = tpu.memref_squeeze %dma_start3A_504 : memref<1x1x!tpu.dma_semaphore, #tpu.memory_space<semaphore_mem>> -> memref<!tpu.dma_semaphore, #tpu.memory_space<semaphore_mem>>
        %dma_start3A_506 = arith.constant 0 : i32
        %dma_start3A_507 = arith.constant 0 : i32
        %dma_start3A_508 = tpu.memref_slice %arg10[%sub3A_121, %dma_start3A_502, %dma_start3A_506, %dma_start3A_507] : memref<2x2x1024x128xf32, #tpu.memory_space<vmem>> -> memref<1x1x1024x128xf32, #tpu.memory_space<vmem>>
        %dma_start3A_509 = tpu.memref_squeeze %dma_start3A_508 : memref<1x1x1024x128xf32, #tpu.memory_space<vmem>> -> memref<1024x128xf32, #tpu.memory_space<vmem>>
        %dma_start3A_510 = arith.constant 0 : i32
        %dma_start3A_511 = arith.constant 0 : i32
        %dma_start3A_512 = tpu.memref_slice %arg0[%sub3A_501, %dma_start3A_510, %dma_start3A_511] : memref<50x1024x128xf32, #tpu.memory_space<any>> -> memref<1x1024x128xf32, #tpu.memory_space<any>>
        %dma_start3A_513 = tpu.memref_squeeze %dma_start3A_512 : memref<1x1024x128xf32, #tpu.memory_space<any>> -> memref<1024x128xf32, #tpu.memory_space<any>>
        tpu.enqueue_dma source(%dma_start3A_513 : memref<1024x128xf32, #tpu.memory_space<any>>) target(%dma_start3A_509 : memref<1024x128xf32, #tpu.memory_space<vmem>>) target_semaphore(%dma_start3A_505 : memref<!tpu.dma_semaphore, #tpu.memory_space<semaphore_mem>>)
      } else {
      }
      %dma_wait3A_124 = arith.constant 0 : i32
      %dma_wait3A_125 = arith.constant 0 : i32
      %dma_wait3A_126 = tpu.memref_slice %arg12[%rem3A_120, %dma_wait3A_125] : memref<2x2x!tpu.dma_semaphore, #tpu.memory_space<semaphore_mem>> -> memref<1x1x!tpu.dma_semaphore, #tpu.memory_space<semaphore_mem>>
      %dma_wait3A_127 = tpu.memref_squeeze %dma_wait3A_126 : memref<1x1x!tpu.dma_semaphore, #tpu.memory_space<semaphore_mem>> -> memref<!tpu.dma_semaphore, #tpu.memory_space<semaphore_mem>>
      %dma_wait3A_128 = arith.constant 0 : i32
      %dma_wait3A_129 = arith.constant 0 : i32
      %dma_wait3A_130 = tpu.memref_slice %arg10[%rem3A_120, %dma_wait3A_124, %dma_wait3A_128, %dma_wait3A_129] : memref<2x2x1024x128xf32, #tpu.memory_space<vmem>> -> memref<1x1x1024x128xf32, #tpu.memory_space<vmem>>
      %dma_wait3A_131 = tpu.memref_squeeze %dma_wait3A_130 : memref<1x1x1024x128xf32, #tpu.memory_space<vmem>> -> memref<1024x128xf32, #tpu.memory_space<vmem>>
      %dma_wait3A_132 = arith.constant 0 : i32
      %dma_wait3A_133 = arith.constant 0 : i32
      %dma_wait3A_134 = tpu.memref_slice %arg0[%scan3A_117, %dma_wait3A_132, %dma_wait3A_133] : memref<50x1024x128xf32, #tpu.memory_space<any>> -> memref<1x1024x128xf32, #tpu.memory_space<any>>
      %dma_wait3A_135 = tpu.memref_squeeze %dma_wait3A_134 : memref<1x1024x128xf32, #tpu.memory_space<any>> -> memref<1024x128xf32, #tpu.memory_space<any>>
      tpu.wait_dma2 semaphore(%dma_wait3A_127 : memref<!tpu.dma_semaphore, #tpu.memory_space<semaphore_mem>>) src(%dma_wait3A_135 : memref<1024x128xf32, #tpu.memory_space<any>>) dst(%dma_wait3A_131 : memref<1024x128xf32, #tpu.memory_space<vmem>>)
      %sub3A_136 = arith.constant 49 : i32
      %sub3A_137 = arith.subi %sub3A_136, %scan3A_117 : i32
      %dma_wait3A_138 = arith.constant 1 : i32
      %dma_wait3A_139 = arith.constant 1 : i32
      %dma_wait3A_140 = tpu.memref_slice %arg12[%rem3A_120, %dma_wait3A_139] : memref<2x2x!tpu.dma_semaphore, #tpu.memory_space<semaphore_mem>> -> memref<1x1x!tpu.dma_semaphore, #tpu.memory_space<semaphore_mem>>
      %dma_wait3A_141 = tpu.memref_squeeze %dma_wait3A_140 : memref<1x1x!tpu.dma_semaphore, #tpu.memory_space<semaphore_mem>> -> memref<!tpu.dma_semaphore, #tpu.memory_space<semaphore_mem>>
      %dma_wait3A_142 = arith.constant 0 : i32
      %dma_wait3A_143 = arith.constant 0 : i32
      %dma_wait3A_144 = tpu.memref_slice %arg10[%rem3A_120, %dma_wait3A_138, %dma_wait3A_142, %dma_wait3A_143] : memref<2x2x1024x128xf32, #tpu.memory_space<vmem>> -> memref<1x1x1024x128xf32, #tpu.memory_space<vmem>>
      %dma_wait3A_145 = tpu.memref_squeeze %dma_wait3A_144 : memref<1x1x1024x128xf32, #tpu.memory_space<vmem>> -> memref<1024x128xf32, #tpu.memory_space<vmem>>
      %dma_wait3A_146 = arith.constant 0 : i32
      %dma_wait3A_147 = arith.constant 0 : i32
      %dma_wait3A_148 = tpu.memref_slice %arg0[%sub3A_137, %dma_wait3A_146, %dma_wait3A_147] : memref<50x1024x128xf32, #tpu.memory_space<any>> -> memref<1x1024x128xf32, #tpu.memory_space<any>>
      %dma_wait3A_149 = tpu.memref_squeeze %dma_wait3A_148 : memref<1x1024x128xf32, #tpu.memory_space<any>> -> memref<1024x128xf32, #tpu.memory_space<any>>
      tpu.wait_dma2 semaphore(%dma_wait3A_141 : memref<!tpu.dma_semaphore, #tpu.memory_space<semaphore_mem>>) src(%dma_wait3A_149 : memref<1024x128xf32, #tpu.memory_space<any>>) dst(%dma_wait3A_145 : memref<1024x128xf32, #tpu.memory_space<vmem>>)
      %ge3A = arith.constant 2 : i32
      %ge3A_150 = arith.cmpi sge, %scan3A_117, %ge3A : i32
      %convert_element_type3A_151 = arith.extui %ge3A_150 : i1 to i32
      %cond3A_152 = arith.constant 0 : i32
      %cond3A_153 = arith.cmpi ne, %convert_element_type3A_151, %cond3A_152 : i32
      scf.if %cond3A_153 {
        %sub3A_486 = arith.constant 2 : i32
        %sub3A_487 = arith.subi %scan3A_117, %sub3A_486 : i32
        %dma_wait3A_488 = arith.constant 0 : i32
        %dma_wait3A_489 = arith.constant 0 : i32
        %dma_wait3A_490 = tpu.memref_slice %arg13[%rem3A_120, %dma_wait3A_489] : memref<2x2x!tpu.dma_semaphore, #tpu.memory_space<semaphore_mem>> -> memref<1x1x!tpu.dma_semaphore, #tpu.memory_space<semaphore_mem>>
        %dma_wait3A_491 = tpu.memref_squeeze %dma_wait3A_490 : memref<1x1x!tpu.dma_semaphore, #tpu.memory_space<semaphore_mem>> -> memref<!tpu.dma_semaphore, #tpu.memory_space<semaphore_mem>>
        %dma_wait3A_492 = arith.constant 0 : i32
        %dma_wait3A_493 = arith.constant 0 : i32
        %dma_wait3A_494 = tpu.memref_slice %arg9[%sub3A_487, %dma_wait3A_492, %dma_wait3A_493] : memref<50x1024x256xf32, #tpu.memory_space<any>> -> memref<1x1024x128xf32, #tpu.memory_space<any>>
        %dma_wait3A_495 = tpu.memref_squeeze %dma_wait3A_494 : memref<1x1024x128xf32, #tpu.memory_space<any>> -> memref<1024x128xf32, #tpu.memory_space<any>>
        %dma_wait3A_496 = arith.constant 0 : i32
        %dma_wait3A_497 = arith.constant 0 : i32
        %dma_wait3A_498 = tpu.memref_slice %arg11[%rem3A_120, %dma_wait3A_488, %dma_wait3A_496, %dma_wait3A_497] : memref<2x2x1024x128xf32, #tpu.memory_space<vmem>> -> memref<1x1x1024x128xf32, #tpu.memory_space<vmem>>
        %dma_wait3A_499 = tpu.memref_squeeze %dma_wait3A_498 : memref<1x1x1024x128xf32, #tpu.memory_space<vmem>> -> memref<1024x128xf32, #tpu.memory_space<vmem>>
        tpu.wait_dma2 semaphore(%dma_wait3A_491 : memref<!tpu.dma_semaphore, #tpu.memory_space<semaphore_mem>>) src(%dma_wait3A_499 : memref<1024x128xf32, #tpu.memory_space<vmem>>) dst(%dma_wait3A_495 : memref<1024x128xf32, #tpu.memory_space<any>>)
        %sub3A_500 = arith.constant 51 : i32
        %sub3A_501 = arith.subi %sub3A_500, %scan3A_117 : i32
        %dma_wait3A_502 = arith.constant 1 : i32
        %dma_wait3A_503 = arith.constant 1 : i32
        %dma_wait3A_504 = tpu.memref_slice %arg13[%rem3A_120, %dma_wait3A_503] : memref<2x2x!tpu.dma_semaphore, #tpu.memory_space<semaphore_mem>> -> memref<1x1x!tpu.dma_semaphore, #tpu.memory_space<semaphore_mem>>
        %dma_wait3A_505 = tpu.memref_squeeze %dma_wait3A_504 : memref<1x1x!tpu.dma_semaphore, #tpu.memory_space<semaphore_mem>> -> memref<!tpu.dma_semaphore, #tpu.memory_space<semaphore_mem>>
        %dma_wait3A_506 = arith.constant 0 : i32
        %dma_wait3A_507 = arith.constant 128 : i32
        %dma_wait3A_508 = tpu.memref_slice %arg9[%sub3A_501, %dma_wait3A_506, %dma_wait3A_507] : memref<50x1024x256xf32, #tpu.memory_space<any>> -> memref<1x1024x128xf32, #tpu.memory_space<any>>
        %dma_wait3A_509 = tpu.memref_squeeze %dma_wait3A_508 : memref<1x1024x128xf32, #tpu.memory_space<any>> -> memref<1024x128xf32, #tpu.memory_space<any>>
        %dma_wait3A_510 = arith.constant 0 : i32
        %dma_wait3A_511 = arith.constant 0 : i32
        %dma_wait3A_512 = tpu.memref_slice %arg11[%rem3A_120, %dma_wait3A_502, %dma_wait3A_510, %dma_wait3A_511] : memref<2x2x1024x128xf32, #tpu.memory_space<vmem>> -> memref<1x1x1024x128xf32, #tpu.memory_space<vmem>>
        %dma_wait3A_513 = tpu.memref_squeeze %dma_wait3A_512 : memref<1x1x1024x128xf32, #tpu.memory_space<vmem>> -> memref<1024x128xf32, #tpu.memory_space<vmem>>
        tpu.wait_dma2 semaphore(%dma_wait3A_505 : memref<!tpu.dma_semaphore, #tpu.memory_space<semaphore_mem>>) src(%dma_wait3A_513 : memref<1024x128xf32, #tpu.memory_space<vmem>>) dst(%dma_wait3A_509 : memref<1024x128xf32, #tpu.memory_space<any>>)
      } else {
      }
      %get3A_154 = arith.index_cast %rem3A_120 : i32 to index
      %get3A_155 = arith.constant 0 : index
      %get3A_156 = arith.constant 0 : index
      %get3A_157 = arith.constant 0 : index
      %get3A_158 = vector.load %arg10[%get3A_154, %get3A_155, %get3A_156, %get3A_157] : memref<2x2x1024x128xf32, #tpu.memory_space<vmem>>, vector<1x1x1024x128xf32>
      %get3A_159 = vector.shape_cast %get3A_158 : vector<1x1x1024x128xf32> to vector<1024x128xf32>
      %slice3A = vector.extract_strided_slice %get3A_159 {offsets = [0, 0], sizes = [1024, 64], strides = [1, 1]} : vector<1024x128xf32> to vector<1024x64xf32>
      %convert_element_type3A_160 = arith.truncf %slice3A : vector<1024x64xf32> to vector<1024x64xbf16>
      %dot_general3A = arith.constant dense<0.000000e+00> : vector<1024x384xf32>
      %dot_general3A_161 = tpu.matmul %convert_element_type3A_160, %get3A_1, %dot_general3A {dimension_numbers = #tpu.dot_dimension_numbers<[1], [0], [0], [1], [0, 0, 1, 1], [], []>, transpose_lhs_hint = false} : vector<1024x64xbf16>, vector<64x384xbf16>, vector<1024x384xf32> -> vector<1024x384xf32>
      %add3A = vector.broadcast %get3A_13 : vector<1x384xf32> to vector<1024x384xf32>
      %add3A_162 = arith.addf %dot_general3A_161, %add3A : vector<1024x384xf32>
      %convert_element_type3A_163 = arith.truncf %scan3A_118 : vector<1024x128xf32> to vector<1024x128xbf16>
      %dot_general3A_164 = arith.constant dense<0.000000e+00> : vector<1024x384xf32>
      %dot_general3A_165 = tpu.matmul %convert_element_type3A_163, %get3A_4, %dot_general3A_164 {dimension_numbers = #tpu.dot_dimension_numbers<[1], [0], [0], [1], [0, 0, 1, 1], [], []>, transpose_lhs_hint = false} : vector<1024x128xbf16>, vector<128x384xbf16>, vector<1024x384xf32> -> vector<1024x384xf32>
      %add3A_166 = vector.broadcast %get3A_16 : vector<1x384xf32> to vector<1024x384xf32>
      %add3A_167 = arith.addf %dot_general3A_165, %add3A_166 : vector<1024x384xf32>
      %slice3A_168 = vector.extract_strided_slice %add3A_162 {offsets = [0, 0], sizes = [1024, 128], strides = [1, 1]} : vector<1024x384xf32> to vector<1024x128xf32>
      %slice3A_169 = vector.extract_strided_slice %add3A_167 {offsets = [0, 0], sizes = [1024, 128], strides = [1, 1]} : vector<1024x384xf32> to vector<1024x128xf32>
      %add3A_170 = arith.addf %slice3A_168, %slice3A_169 : vector<1024x128xf32>
      %mul3A = arith.constant 5.000000e-01 : f32
      %mul3A_171 = vector.broadcast %mul3A : f32 to vector<1024x128xf32>
      %mul3A_172 = arith.mulf %mul3A_171, %add3A_170 : vector<1024x128xf32>
      %tanh3A = math.tanh %mul3A_172 : vector<1024x128xf32>
      %mul3A_173 = arith.constant 5.000000e-01 : f32
      %mul3A_174 = vector.broadcast %mul3A_173 : f32 to vector<1024x128xf32>
      %mul3A_175 = arith.mulf %mul3A_174, %tanh3A : vector<1024x128xf32>
      %add3A_176 = arith.constant 5.000000e-01 : f32
      %add3A_177 = vector.broadcast %add3A_176 : f32 to vector<1024x128xf32>
      %add3A_178 = arith.addf %mul3A_175, %add3A_177 : vector<1024x128xf32>
      %slice3A_179 = vector.extract_strided_slice %add3A_162 {offsets = [0, 128], sizes = [1024, 128], strides = [1, 1]} : vector<1024x384xf32> to vector<1024x128xf32>
      %slice3A_180 = vector.extract_strided_slice %add3A_167 {offsets = [0, 128], sizes = [1024, 128], strides = [1, 1]} : vector<1024x384xf32> to vector<1024x128xf32>
      %add3A_181 = arith.addf %slice3A_179, %slice3A_180 : vector<1024x128xf32>
      %mul3A_182 = arith.constant 5.000000e-01 : f32
      %mul3A_183 = vector.broadcast %mul3A_182 : f32 to vector<1024x128xf32>
      %mul3A_184 = arith.mulf %mul3A_183, %add3A_181 : vector<1024x128xf32>
      %tanh3A_185 = math.tanh %mul3A_184 : vector<1024x128xf32>
      %mul3A_186 = arith.constant 5.000000e-01 : f32
      %mul3A_187 = vector.broadcast %mul3A_186 : f32 to vector<1024x128xf32>
      %mul3A_188 = arith.mulf %mul3A_187, %tanh3A_185 : vector<1024x128xf32>
      %add3A_189 = arith.constant 5.000000e-01 : f32
      %add3A_190 = vector.broadcast %add3A_189 : f32 to vector<1024x128xf32>
      %add3A_191 = arith.addf %mul3A_188, %add3A_190 : vector<1024x128xf32>
      %slice3A_192 = vector.extract_strided_slice %add3A_162 {offsets = [0, 256], sizes = [1024, 128], strides = [1, 1]} : vector<1024x384xf32> to vector<1024x128xf32>
      %slice3A_193 = vector.extract_strided_slice %add3A_167 {offsets = [0, 256], sizes = [1024, 128], strides = [1, 1]} : vector<1024x384xf32> to vector<1024x128xf32>
      %mul3A_194 = arith.mulf %add3A_178, %slice3A_193 : vector<1024x128xf32>
      %add3A_195 = arith.addf %slice3A_192, %mul3A_194 : vector<1024x128xf32>
      %tanh3A_196 = math.tanh %add3A_195 : vector<1024x128xf32>
      %sub3A_197 = arith.constant 1.000000e+00 : f32
      %sub3A_198 = vector.broadcast %sub3A_197 : f32 to vector<1024x128xf32>
      %sub3A_199 = arith.subf %sub3A_198, %add3A_191 : vector<1024x128xf32>
      %mul3A_200 = arith.mulf %sub3A_199, %tanh3A_196 : vector<1024x128xf32>
      %mul3A_201 = arith.mulf %add3A_191, %scan3A_118 : vector<1024x128xf32>
      %add3A_202 = arith.addf %mul3A_200, %mul3A_201 : vector<1024x128xf32>
      %get3A_203 = arith.index_cast %rem3A_120 : i32 to index
      %get3A_204 = arith.constant 1 : index
      %get3A_205 = arith.constant 0 : index
      %get3A_206 = arith.constant 0 : index
      %get3A_207 = vector.load %arg10[%get3A_203, %get3A_204, %get3A_205, %get3A_206] : memref<2x2x1024x128xf32, #tpu.memory_space<vmem>>, vector<1x1x1024x128xf32>
      %get3A_208 = vector.shape_cast %get3A_207 : vector<1x1x1024x128xf32> to vector<1024x128xf32>
      %slice3A_209 = vector.extract_strided_slice %get3A_208 {offsets = [0, 0], sizes = [1024, 64], strides = [1, 1]} : vector<1024x128xf32> to vector<1024x64xf32>
      %convert_element_type3A_210 = arith.truncf %slice3A_209 : vector<1024x64xf32> to vector<1024x64xbf16>
      %dot_general3A_211 = arith.constant dense<0.000000e+00> : vector<1024x384xf32>
      %dot_general3A_212 = tpu.matmul %convert_element_type3A_210, %get3A_7, %dot_general3A_211 {dimension_numbers = #tpu.dot_dimension_numbers<[1], [0], [0], [1], [0, 0, 1, 1], [], []>, transpose_lhs_hint = false} : vector<1024x64xbf16>, vector<64x384xbf16>, vector<1024x384xf32> -> vector<1024x384xf32>
      %add3A_213 = vector.broadcast %get3A_19 : vector<1x384xf32> to vector<1024x384xf32>
      %add3A_214 = arith.addf %dot_general3A_212, %add3A_213 : vector<1024x384xf32>
      %convert_element_type3A_215 = arith.truncf %scan3A_119 : vector<1024x128xf32> to vector<1024x128xbf16>
      %dot_general3A_216 = arith.constant dense<0.000000e+00> : vector<1024x384xf32>
      %dot_general3A_217 = tpu.matmul %convert_element_type3A_215, %get3A_10, %dot_general3A_216 {dimension_numbers = #tpu.dot_dimension_numbers<[1], [0], [0], [1], [0, 0, 1, 1], [], []>, transpose_lhs_hint = false} : vector<1024x128xbf16>, vector<128x384xbf16>, vector<1024x384xf32> -> vector<1024x384xf32>
      %add3A_218 = vector.broadcast %get3A_22 : vector<1x384xf32> to vector<1024x384xf32>
      %add3A_219 = arith.addf %dot_general3A_217, %add3A_218 : vector<1024x384xf32>
      %slice3A_220 = vector.extract_strided_slice %add3A_214 {offsets = [0, 0], sizes = [1024, 128], strides = [1, 1]} : vector<1024x384xf32> to vector<1024x128xf32>
      %slice3A_221 = vector.extract_strided_slice %add3A_219 {offsets = [0, 0], sizes = [1024, 128], strides = [1, 1]} : vector<1024x384xf32> to vector<1024x128xf32>
      %add3A_222 = arith.addf %slice3A_220, %slice3A_221 : vector<1024x128xf32>
      %mul3A_223 = arith.constant 5.000000e-01 : f32
      %mul3A_224 = vector.broadcast %mul3A_223 : f32 to vector<1024x128xf32>
      %mul3A_225 = arith.mulf %mul3A_224, %add3A_222 : vector<1024x128xf32>
      %tanh3A_226 = math.tanh %mul3A_225 : vector<1024x128xf32>
      %mul3A_227 = arith.constant 5.000000e-01 : f32
      %mul3A_228 = vector.broadcast %mul3A_227 : f32 to vector<1024x128xf32>
      %mul3A_229 = arith.mulf %mul3A_228, %tanh3A_226 : vector<1024x128xf32>
      %add3A_230 = arith.constant 5.000000e-01 : f32
      %add3A_231 = vector.broadcast %add3A_230 : f32 to vector<1024x128xf32>
      %add3A_232 = arith.addf %mul3A_229, %add3A_231 : vector<1024x128xf32>
      %slice3A_233 = vector.extract_strided_slice %add3A_214 {offsets = [0, 128], sizes = [1024, 128], strides = [1, 1]} : vector<1024x384xf32> to vector<1024x128xf32>
      %slice3A_234 = vector.extract_strided_slice %add3A_219 {offsets = [0, 128], sizes = [1024, 128], strides = [1, 1]} : vector<1024x384xf32> to vector<1024x128xf32>
      %add3A_235 = arith.addf %slice3A_233, %slice3A_234 : vector<1024x128xf32>
      %mul3A_236 = arith.constant 5.000000e-01 : f32
      %mul3A_237 = vector.broadcast %mul3A_236 : f32 to vector<1024x128xf32>
      %mul3A_238 = arith.mulf %mul3A_237, %add3A_235 : vector<1024x128xf32>
      %tanh3A_239 = math.tanh %mul3A_238 : vector<1024x128xf32>
      %mul3A_240 = arith.constant 5.000000e-01 : f32
      %mul3A_241 = vector.broadcast %mul3A_240 : f32 to vector<1024x128xf32>
      %mul3A_242 = arith.mulf %mul3A_241, %tanh3A_239 : vector<1024x128xf32>
      %add3A_243 = arith.constant 5.000000e-01 : f32
      %add3A_244 = vector.broadcast %add3A_243 : f32 to vector<1024x128xf32>
      %add3A_245 = arith.addf %mul3A_242, %add3A_244 : vector<1024x128xf32>
      %slice3A_246 = vector.extract_strided_slice %add3A_214 {offsets = [0, 256], sizes = [1024, 128], strides = [1, 1]} : vector<1024x384xf32> to vector<1024x128xf32>
      %slice3A_247 = vector.extract_strided_slice %add3A_219 {offsets = [0, 256], sizes = [1024, 128], strides = [1, 1]} : vector<1024x384xf32> to vector<1024x128xf32>
      %mul3A_248 = arith.mulf %add3A_232, %slice3A_247 : vector<1024x128xf32>
      %add3A_249 = arith.addf %slice3A_246, %mul3A_248 : vector<1024x128xf32>
      %tanh3A_250 = math.tanh %add3A_249 : vector<1024x128xf32>
      %sub3A_251 = arith.constant 1.000000e+00 : f32
      %sub3A_252 = vector.broadcast %sub3A_251 : f32 to vector<1024x128xf32>
      %sub3A_253 = arith.subf %sub3A_252, %add3A_245 : vector<1024x128xf32>
      %mul3A_254 = arith.mulf %sub3A_253, %tanh3A_250 : vector<1024x128xf32>
      %mul3A_255 = arith.mulf %add3A_245, %scan3A_119 : vector<1024x128xf32>
      %add3A_256 = arith.addf %mul3A_254, %mul3A_255 : vector<1024x128xf32>
      %swap3A = arith.index_cast %rem3A_120 : i32 to index
      %swap3A_257 = arith.constant 0 : index
      %swap3A_258 = arith.constant 0 : index
      %swap3A_259 = arith.constant 0 : index
      %swap3A_260 = vector.load %arg11[%swap3A, %swap3A_257, %swap3A_258, %swap3A_259] : memref<2x2x1024x128xf32, #tpu.memory_space<vmem>>, vector<1x1x1024x128xf32>
      %swap3A_261 = vector.shape_cast %swap3A_260 : vector<1x1x1024x128xf32> to vector<1024x128xf32>
      %swap3A_262 = vector.shape_cast %add3A_202 : vector<1024x128xf32> to vector<1x1x1024x128xf32>
      tpu.vector_store %arg11[%swap3A, %swap3A_257, %swap3A_258, %swap3A_259], %swap3A_262 {strides = array<i32>} : memref<2x2x1024x128xf32, #tpu.memory_space<vmem>>, vector<1x1x1024x128xf32>,
      %swap3A_263 = arith.index_cast %rem3A_120 : i32 to index
      %swap3A_264 = arith.constant 1 : index
      %swap3A_265 = arith.constant 0 : index
      %swap3A_266 = arith.constant 0 : index
      %swap3A_267 = vector.load %arg11[%swap3A_263, %swap3A_264, %swap3A_265, %swap3A_266] : memref<2x2x1024x128xf32, #tpu.memory_space<vmem>>, vector<1x1x1024x128xf32>
      %swap3A_268 = vector.shape_cast %swap3A_267 : vector<1x1x1024x128xf32> to vector<1024x128xf32>
      %swap3A_269 = vector.shape_cast %add3A_256 : vector<1024x128xf32> to vector<1x1x1024x128xf32>
      tpu.vector_store %arg11[%swap3A_263, %swap3A_264, %swap3A_265, %swap3A_266], %swap3A_269 {strides = array<i32>} : memref<2x2x1024x128xf32, #tpu.memory_space<vmem>>, vector<1x1x1024x128xf32>,
      %dma_start3A_270 = arith.constant 0 : i32
      %dma_start3A_271 = arith.constant 0 : i32
      %dma_start3A_272 = tpu.memref_slice %arg13[%rem3A_120, %dma_start3A_271] : memref<2x2x!tpu.dma_semaphore, #tpu.memory_space<semaphore_mem>> -> memref<1x1x!tpu.dma_semaphore, #tpu.memory_space<semaphore_mem>>
      %dma_start3A_273 = tpu.memref_squeeze %dma_start3A_272 : memref<1x1x!tpu.dma_semaphore, #tpu.memory_space<semaphore_mem>> -> memref<!tpu.dma_semaphore, #tpu.memory_space<semaphore_mem>>
      %dma_start3A_274 = arith.constant 0 : i32
      %dma_start3A_275 = arith.constant 0 : i32
      %dma_start3A_276 = tpu.memref_slice %arg9[%scan3A_117, %dma_start3A_274, %dma_start3A_275] : memref<50x1024x256xf32, #tpu.memory_space<any>> -> memref<1x1024x128xf32, #tpu.memory_space<any>>
      %dma_start3A_277 = tpu.memref_squeeze %dma_start3A_276 : memref<1x1024x128xf32, #tpu.memory_space<any>> -> memref<1024x128xf32, #tpu.memory_space<any>>
      %dma_start3A_278 = arith.constant 0 : i32
      %dma_start3A_279 = arith.constant 0 : i32
      %dma_start3A_280 = tpu.memref_slice %arg11[%rem3A_120, %dma_start3A_270, %dma_start3A_278, %dma_start3A_279] : memref<2x2x1024x128xf32, #tpu.memory_space<vmem>> -> memref<1x1x1024x128xf32, #tpu.memory_space<vmem>>
      %dma_start3A_281 = tpu.memref_squeeze %dma_start3A_280 : memref<1x1x1024x128xf32, #tpu.memory_space<vmem>> -> memref<1024x128xf32, #tpu.memory_space<vmem>>
      tpu.enqueue_dma source(%dma_start3A_281 : memref<1024x128xf32, #tpu.memory_space<vmem>>) target(%dma_start3A_277 : memref<1024x128xf32, #tpu.memory_space<any>>) target_semaphore(%dma_start3A_273 : memref<!tpu.dma_semaphore, #tpu.memory_space<semaphore_mem>>)
      %sub3A_282 = arith.constant 49 : i32
      %sub3A_283 = arith.subi %sub3A_282, %scan3A_117 : i32
      %dma_start3A_284 = arith.constant 1 : i32
      %dma_start3A_285 = arith.constant 1 : i32
      %dma_start3A_286 = tpu.memref_slice %arg13[%rem3A_120, %dma_start3A_285] : memref<2x2x!tpu.dma_semaphore, #tpu.memory_space<semaphore_mem>> -> memref<1x1x!tpu.dma_semaphore, #tpu.memory_space<semaphore_mem>>
      %dma_start3A_287 = tpu.memref_squeeze %dma_start3A_286 : memref<1x1x!tpu.dma_semaphore, #tpu.memory_space<semaphore_mem>> -> memref<!tpu.dma_semaphore, #tpu.memory_space<semaphore_mem>>
      %dma_start3A_288 = arith.constant 0 : i32
      %dma_start3A_289 = arith.constant 128 : i32
      %dma_start3A_290 = tpu.memref_slice %arg9[%sub3A_283, %dma_start3A_288, %dma_start3A_289] : memref<50x1024x256xf32, #tpu.memory_space<any>> -> memref<1x1024x128xf32, #tpu.memory_space<any>>
      %dma_start3A_291 = tpu.memref_squeeze %dma_start3A_290 : memref<1x1024x128xf32, #tpu.memory_space<any>> -> memref<1024x128xf32, #tpu.memory_space<any>>
      %dma_start3A_292 = arith.constant 0 : i32
      %dma_start3A_293 = arith.constant 0 : i32
      %dma_start3A_294 = tpu.memref_slice %arg11[%rem3A_120, %dma_start3A_284, %dma_start3A_292, %dma_start3A_293] : memref<2x2x1024x128xf32, #tpu.memory_space<vmem>> -> memref<1x1x1024x128xf32, #tpu.memory_space<vmem>>
      %dma_start3A_295 = tpu.memref_squeeze %dma_start3A_294 : memref<1x1x1024x128xf32, #tpu.memory_space<vmem>> -> memref<1024x128xf32, #tpu.memory_space<vmem>>
      tpu.enqueue_dma source(%dma_start3A_295 : memref<1024x128xf32, #tpu.memory_space<vmem>>) target(%dma_start3A_291 : memref<1024x128xf32, #tpu.memory_space<any>>) target_semaphore(%dma_start3A_287 : memref<!tpu.dma_semaphore, #tpu.memory_space<semaphore_mem>>)
      %scan3A_296 = arith.constant 1 : i32
      %scan3A_297 = arith.addi %scan3A_117, %scan3A_296 : i32
      %rem3A_298 = arith.constant 2 : i32
      %rem3A_299 = arith.remsi %scan3A_297, %rem3A_298 : i32
      %sub3A_300 = arith.constant 1 : i32
      %sub3A_301 = arith.subi %sub3A_300, %rem3A_299 : i32
      %lt3A_302 = arith.constant 49 : i32
      %lt3A_303 = arith.cmpi slt, %scan3A_297, %lt3A_302 : i32
      %convert_element_type3A_304 = arith.extui %lt3A_303 : i1 to i32
      %cond3A_305 = arith.constant 0 : i32
      %cond3A_306 = arith.cmpi ne, %convert_element_type3A_304, %cond3A_305 : i32
      scf.if %cond3A_306 {
        %add3A_486 = arith.constant 1 : i32
        %add3A_487 = arith.addi %scan3A_297, %add3A_486 : i32
        %dma_start3A_488 = arith.constant 0 : i32
        %dma_start3A_489 = arith.constant 0 : i32
        %dma_start3A_490 = tpu.memref_slice %arg12[%sub3A_301, %dma_start3A_489] : memref<2x2x!tpu.dma_semaphore, #tpu.memory_space<semaphore_mem>> -> memref<1x1x!tpu.dma_semaphore, #tpu.memory_space<semaphore_mem>>
        %dma_start3A_491 = tpu.memref_squeeze %dma_start3A_490 : memref<1x1x!tpu.dma_semaphore, #tpu.memory_space<semaphore_mem>> -> memref<!tpu.dma_semaphore, #tpu.memory_space<semaphore_mem>>
        %dma_start3A_492 = arith.constant 0 : i32
        %dma_start3A_493 = arith.constant 0 : i32
        %dma_start3A_494 = tpu.memref_slice %arg10[%sub3A_301, %dma_start3A_488, %dma_start3A_492, %dma_start3A_493] : memref<2x2x1024x128xf32, #tpu.memory_space<vmem>> -> memref<1x1x1024x128xf32, #tpu.memory_space<vmem>>
        %dma_start3A_495 = tpu.memref_squeeze %dma_start3A_494 : memref<1x1x1024x128xf32, #tpu.memory_space<vmem>> -> memref<1024x128xf32, #tpu.memory_space<vmem>>
        %dma_start3A_496 = arith.constant 0 : i32
        %dma_start3A_497 = arith.constant 0 : i32
        %dma_start3A_498 = tpu.memref_slice %arg0[%add3A_487, %dma_start3A_496, %dma_start3A_497] : memref<50x1024x128xf32, #tpu.memory_space<any>> -> memref<1x1024x128xf32, #tpu.memory_space<any>>
        %dma_start3A_499 = tpu.memref_squeeze %dma_start3A_498 : memref<1x1024x128xf32, #tpu.memory_space<any>> -> memref<1024x128xf32, #tpu.memory_space<any>>
        tpu.enqueue_dma source(%dma_start3A_499 : memref<1024x128xf32, #tpu.memory_space<any>>) target(%dma_start3A_495 : memref<1024x128xf32, #tpu.memory_space<vmem>>) target_semaphore(%dma_start3A_491 : memref<!tpu.dma_semaphore, #tpu.memory_space<semaphore_mem>>)
        %sub3A_500 = arith.constant 48 : i32
        %sub3A_501 = arith.subi %sub3A_500, %scan3A_297 : i32
        %dma_start3A_502 = arith.constant 1 : i32
        %dma_start3A_503 = arith.constant 1 : i32
        %dma_start3A_504 = tpu.memref_slice %arg12[%sub3A_301, %dma_start3A_503] : memref<2x2x!tpu.dma_semaphore, #tpu.memory_space<semaphore_mem>> -> memref<1x1x!tpu.dma_semaphore, #tpu.memory_space<semaphore_mem>>
        %dma_start3A_505 = tpu.memref_squeeze %dma_start3A_504 : memref<1x1x!tpu.dma_semaphore, #tpu.memory_space<semaphore_mem>> -> memref<!tpu.dma_semaphore, #tpu.memory_space<semaphore_mem>>
        %dma_start3A_506 = arith.constant 0 : i32
        %dma_start3A_507 = arith.constant 0 : i32
        %dma_start3A_508 = tpu.memref_slice %arg10[%sub3A_301, %dma_start3A_502, %dma_start3A_506, %dma_start3A_507] : memref<2x2x1024x128xf32, #tpu.memory_space<vmem>> -> memref<1x1x1024x128xf32, #tpu.memory_space<vmem>>
        %dma_start3A_509 = tpu.memref_squeeze %dma_start3A_508 : memref<1x1x1024x128xf32, #tpu.memory_space<vmem>> -> memref<1024x128xf32, #tpu.memory_space<vmem>>
        %dma_start3A_510 = arith.constant 0 : i32
        %dma_start3A_511 = arith.constant 0 : i32
        %dma_start3A_512 = tpu.memref_slice %arg0[%sub3A_501, %dma_start3A_510, %dma_start3A_511] : memref<50x1024x128xf32, #tpu.memory_space<any>> -> memref<1x1024x128xf32, #tpu.memory_space<any>>
        %dma_start3A_513 = tpu.memref_squeeze %dma_start3A_512 : memref<1x1024x128xf32, #tpu.memory_space<any>> -> memref<1024x128xf32, #tpu.memory_space<any>>
        tpu.enqueue_dma source(%dma_start3A_513 : memref<1024x128xf32, #tpu.memory_space<any>>) target(%dma_start3A_509 : memref<1024x128xf32, #tpu.memory_space<vmem>>) target_semaphore(%dma_start3A_505 : memref<!tpu.dma_semaphore, #tpu.memory_space<semaphore_mem>>)
      } else {
      }
      %dma_wait3A_307 = arith.constant 0 : i32
      %dma_wait3A_308 = arith.constant 0 : i32
      %dma_wait3A_309 = tpu.memref_slice %arg12[%rem3A_299, %dma_wait3A_308] : memref<2x2x!tpu.dma_semaphore, #tpu.memory_space<semaphore_mem>> -> memref<1x1x!tpu.dma_semaphore, #tpu.memory_space<semaphore_mem>>
      %dma_wait3A_310 = tpu.memref_squeeze %dma_wait3A_309 : memref<1x1x!tpu.dma_semaphore, #tpu.memory_space<semaphore_mem>> -> memref<!tpu.dma_semaphore, #tpu.memory_space<semaphore_mem>>
      %dma_wait3A_311 = arith.constant 0 : i32
      %dma_wait3A_312 = arith.constant 0 : i32
      %dma_wait3A_313 = tpu.memref_slice %arg10[%rem3A_299, %dma_wait3A_307, %dma_wait3A_311, %dma_wait3A_312] : memref<2x2x1024x128xf32, #tpu.memory_space<vmem>> -> memref<1x1x1024x128xf32, #tpu.memory_space<vmem>>
      %dma_wait3A_314 = tpu.memref_squeeze %dma_wait3A_313 : memref<1x1x1024x128xf32, #tpu.memory_space<vmem>> -> memref<1024x128xf32, #tpu.memory_space<vmem>>
      %dma_wait3A_315 = arith.constant 0 : i32
      %dma_wait3A_316 = arith.constant 0 : i32
      %dma_wait3A_317 = tpu.memref_slice %arg0[%scan3A_297, %dma_wait3A_315, %dma_wait3A_316] : memref<50x1024x128xf32, #tpu.memory_space<any>> -> memref<1x1024x128xf32, #tpu.memory_space<any>>
      %dma_wait3A_318 = tpu.memref_squeeze %dma_wait3A_317 : memref<1x1024x128xf32, #tpu.memory_space<any>> -> memref<1024x128xf32, #tpu.memory_space<any>>
      tpu.wait_dma2 semaphore(%dma_wait3A_310 : memref<!tpu.dma_semaphore, #tpu.memory_space<semaphore_mem>>) src(%dma_wait3A_318 : memref<1024x128xf32, #tpu.memory_space<any>>) dst(%dma_wait3A_314 : memref<1024x128xf32, #tpu.memory_space<vmem>>)
      %sub3A_319 = arith.constant 49 : i32
      %sub3A_320 = arith.subi %sub3A_319, %scan3A_297 : i32
      %dma_wait3A_321 = arith.constant 1 : i32
      %dma_wait3A_322 = arith.constant 1 : i32
      %dma_wait3A_323 = tpu.memref_slice %arg12[%rem3A_299, %dma_wait3A_322] : memref<2x2x!tpu.dma_semaphore, #tpu.memory_space<semaphore_mem>> -> memref<1x1x!tpu.dma_semaphore, #tpu.memory_space<semaphore_mem>>
      %dma_wait3A_324 = tpu.memref_squeeze %dma_wait3A_323 : memref<1x1x!tpu.dma_semaphore, #tpu.memory_space<semaphore_mem>> -> memref<!tpu.dma_semaphore, #tpu.memory_space<semaphore_mem>>
      %dma_wait3A_325 = arith.constant 0 : i32
      %dma_wait3A_326 = arith.constant 0 : i32
      %dma_wait3A_327 = tpu.memref_slice %arg10[%rem3A_299, %dma_wait3A_321, %dma_wait3A_325, %dma_wait3A_326] : memref<2x2x1024x128xf32, #tpu.memory_space<vmem>> -> memref<1x1x1024x128xf32, #tpu.memory_space<vmem>>
      %dma_wait3A_328 = tpu.memref_squeeze %dma_wait3A_327 : memref<1x1x1024x128xf32, #tpu.memory_space<vmem>> -> memref<1024x128xf32, #tpu.memory_space<vmem>>
      %dma_wait3A_329 = arith.constant 0 : i32
      %dma_wait3A_330 = arith.constant 0 : i32
      %dma_wait3A_331 = tpu.memref_slice %arg0[%sub3A_320, %dma_wait3A_329, %dma_wait3A_330] : memref<50x1024x128xf32, #tpu.memory_space<any>> -> memref<1x1024x128xf32, #tpu.memory_space<any>>
      %dma_wait3A_332 = tpu.memref_squeeze %dma_wait3A_331 : memref<1x1024x128xf32, #tpu.memory_space<any>> -> memref<1024x128xf32, #tpu.memory_space<any>>
      tpu.wait_dma2 semaphore(%dma_wait3A_324 : memref<!tpu.dma_semaphore, #tpu.memory_space<semaphore_mem>>) src(%dma_wait3A_332 : memref<1024x128xf32, #tpu.memory_space<any>>) dst(%dma_wait3A_328 : memref<1024x128xf32, #tpu.memory_space<vmem>>)
      %ge3A_333 = arith.constant 2 : i32
      %ge3A_334 = arith.cmpi sge, %scan3A_297, %ge3A_333 : i32
      %convert_element_type3A_335 = arith.extui %ge3A_334 : i1 to i32
      %cond3A_336 = arith.constant 0 : i32
      %cond3A_337 = arith.cmpi ne, %convert_element_type3A_335, %cond3A_336 : i32
      scf.if %cond3A_337 {
        %sub3A_486 = arith.constant 2 : i32
        %sub3A_487 = arith.subi %scan3A_297, %sub3A_486 : i32
        %dma_wait3A_488 = arith.constant 0 : i32
        %dma_wait3A_489 = arith.constant 0 : i32
        %dma_wait3A_490 = tpu.memref_slice %arg13[%rem3A_299, %dma_wait3A_489] : memref<2x2x!tpu.dma_semaphore, #tpu.memory_space<semaphore_mem>> -> memref<1x1x!tpu.dma_semaphore, #tpu.memory_space<semaphore_mem>>
        %dma_wait3A_491 = tpu.memref_squeeze %dma_wait3A_490 : memref<1x1x!tpu.dma_semaphore, #tpu.memory_space<semaphore_mem>> -> memref<!tpu.dma_semaphore, #tpu.memory_space<semaphore_mem>>
        %dma_wait3A_492 = arith.constant 0 : i32
        %dma_wait3A_493 = arith.constant 0 : i32
        %dma_wait3A_494 = tpu.memref_slice %arg9[%sub3A_487, %dma_wait3A_492, %dma_wait3A_493] : memref<50x1024x256xf32, #tpu.memory_space<any>> -> memref<1x1024x128xf32, #tpu.memory_space<any>>
        %dma_wait3A_495 = tpu.memref_squeeze %dma_wait3A_494 : memref<1x1024x128xf32, #tpu.memory_space<any>> -> memref<1024x128xf32, #tpu.memory_space<any>>
        %dma_wait3A_496 = arith.constant 0 : i32
        %dma_wait3A_497 = arith.constant 0 : i32
        %dma_wait3A_498 = tpu.memref_slice %arg11[%rem3A_299, %dma_wait3A_488, %dma_wait3A_496, %dma_wait3A_497] : memref<2x2x1024x128xf32, #tpu.memory_space<vmem>> -> memref<1x1x1024x128xf32, #tpu.memory_space<vmem>>
        %dma_wait3A_499 = tpu.memref_squeeze %dma_wait3A_498 : memref<1x1x1024x128xf32, #tpu.memory_space<vmem>> -> memref<1024x128xf32, #tpu.memory_space<vmem>>
        tpu.wait_dma2 semaphore(%dma_wait3A_491 : memref<!tpu.dma_semaphore, #tpu.memory_space<semaphore_mem>>) src(%dma_wait3A_499 : memref<1024x128xf32, #tpu.memory_space<vmem>>) dst(%dma_wait3A_495 : memref<1024x128xf32, #tpu.memory_space<any>>)
        %sub3A_500 = arith.constant 51 : i32
        %sub3A_501 = arith.subi %sub3A_500, %scan3A_297 : i32
        %dma_wait3A_502 = arith.constant 1 : i32
        %dma_wait3A_503 = arith.constant 1 : i32
        %dma_wait3A_504 = tpu.memref_slice %arg13[%rem3A_299, %dma_wait3A_503] : memref<2x2x!tpu.dma_semaphore, #tpu.memory_space<semaphore_mem>> -> memref<1x1x!tpu.dma_semaphore, #tpu.memory_space<semaphore_mem>>
        %dma_wait3A_505 = tpu.memref_squeeze %dma_wait3A_504 : memref<1x1x!tpu.dma_semaphore, #tpu.memory_space<semaphore_mem>> -> memref<!tpu.dma_semaphore, #tpu.memory_space<semaphore_mem>>
        %dma_wait3A_506 = arith.constant 0 : i32
        %dma_wait3A_507 = arith.constant 128 : i32
        %dma_wait3A_508 = tpu.memref_slice %arg9[%sub3A_501, %dma_wait3A_506, %dma_wait3A_507] : memref<50x1024x256xf32, #tpu.memory_space<any>> -> memref<1x1024x128xf32, #tpu.memory_space<any>>
        %dma_wait3A_509 = tpu.memref_squeeze %dma_wait3A_508 : memref<1x1024x128xf32, #tpu.memory_space<any>> -> memref<1024x128xf32, #tpu.memory_space<any>>
        %dma_wait3A_510 = arith.constant 0 : i32
        %dma_wait3A_511 = arith.constant 0 : i32
        %dma_wait3A_512 = tpu.memref_slice %arg11[%rem3A_299, %dma_wait3A_502, %dma_wait3A_510, %dma_wait3A_511] : memref<2x2x1024x128xf32, #tpu.memory_space<vmem>> -> memref<1x1x1024x128xf32, #tpu.memory_space<vmem>>
        %dma_wait3A_513 = tpu.memref_squeeze %dma_wait3A_512 : memref<1x1x1024x128xf32, #tpu.memory_space<vmem>> -> memref<1024x128xf32, #tpu.memory_space<vmem>>
        tpu.wait_dma2 semaphore(%dma_wait3A_505 : memref<!tpu.dma_semaphore, #tpu.memory_space<semaphore_mem>>) src(%dma_wait3A_513 : memref<1024x128xf32, #tpu.memory_space<vmem>>) dst(%dma_wait3A_509 : memref<1024x128xf32, #tpu.memory_space<any>>)
      } else {
      }
      %get3A_338 = arith.index_cast %rem3A_299 : i32 to index
      %get3A_339 = arith.constant 0 : index
      %get3A_340 = arith.constant 0 : index
      %get3A_341 = arith.constant 0 : index
      %get3A_342 = vector.load %arg10[%get3A_338, %get3A_339, %get3A_340, %get3A_341] : memref<2x2x1024x128xf32, #tpu.memory_space<vmem>>, vector<1x1x1024x128xf32>
      %get3A_343 = vector.shape_cast %get3A_342 : vector<1x1x1024x128xf32> to vector<1024x128xf32>
      %slice3A_344 = vector.extract_strided_slice %get3A_343 {offsets = [0, 0], sizes = [1024, 64], strides = [1, 1]} : vector<1024x128xf32> to vector<1024x64xf32>
      %convert_element_type3A_345 = arith.truncf %slice3A_344 : vector<1024x64xf32> to vector<1024x64xbf16>
      %dot_general3A_346 = arith.constant dense<0.000000e+00> : vector<1024x384xf32>
      %dot_general3A_347 = tpu.matmul %convert_element_type3A_345, %get3A_1, %dot_general3A_346 {dimension_numbers = #tpu.dot_dimension_numbers<[1], [0], [0], [1], [0, 0, 1, 1], [], []>, transpose_lhs_hint = false} : vector<1024x64xbf16>, vector<64x384xbf16>, vector<1024x384xf32> -> vector<1024x384xf32>
      %add3A_348 = vector.broadcast %get3A_13 : vector<1x384xf32> to vector<1024x384xf32>
      %add3A_349 = arith.addf %dot_general3A_347, %add3A_348 : vector<1024x384xf32>
      %convert_element_type3A_350 = arith.truncf %add3A_202 : vector<1024x128xf32> to vector<1024x128xbf16>
      %dot_general3A_351 = arith.constant dense<0.000000e+00> : vector<1024x384xf32>
      %dot_general3A_352 = tpu.matmul %convert_element_type3A_350, %get3A_4, %dot_general3A_351 {dimension_numbers = #tpu.dot_dimension_numbers<[1], [0], [0], [1], [0, 0, 1, 1], [], []>, transpose_lhs_hint = false} : vector<1024x128xbf16>, vector<128x384xbf16>, vector<1024x384xf32> -> vector<1024x384xf32>
      %add3A_353 = vector.broadcast %get3A_16 : vector<1x384xf32> to vector<1024x384xf32>
      %add3A_354 = arith.addf %dot_general3A_352, %add3A_353 : vector<1024x384xf32>
      %slice3A_355 = vector.extract_strided_slice %add3A_349 {offsets = [0, 0], sizes = [1024, 128], strides = [1, 1]} : vector<1024x384xf32> to vector<1024x128xf32>
      %slice3A_356 = vector.extract_strided_slice %add3A_354 {offsets = [0, 0], sizes = [1024, 128], strides = [1, 1]} : vector<1024x384xf32> to vector<1024x128xf32>
      %add3A_357 = arith.addf %slice3A_355, %slice3A_356 : vector<1024x128xf32>
      %mul3A_358 = arith.constant 5.000000e-01 : f32
      %mul3A_359 = vector.broadcast %mul3A_358 : f32 to vector<1024x128xf32>
      %mul3A_360 = arith.mulf %mul3A_359, %add3A_357 : vector<1024x128xf32>
      %tanh3A_361 = math.tanh %mul3A_360 : vector<1024x128xf32>
      %mul3A_362 = arith.constant 5.000000e-01 : f32
      %mul3A_363 = vector.broadcast %mul3A_362 : f32 to vector<1024x128xf32>
      %mul3A_364 = arith.mulf %mul3A_363, %tanh3A_361 : vector<1024x128xf32>
      %add3A_365 = arith.constant 5.000000e-01 : f32
      %add3A_366 = vector.broadcast %add3A_365 : f32 to vector<1024x128xf32>
      %add3A_367 = arith.addf %mul3A_364, %add3A_366 : vector<1024x128xf32>
      %slice3A_368 = vector.extract_strided_slice %add3A_349 {offsets = [0, 128], sizes = [1024, 128], strides = [1, 1]} : vector<1024x384xf32> to vector<1024x128xf32>
      %slice3A_369 = vector.extract_strided_slice %add3A_354 {offsets = [0, 128], sizes = [1024, 128], strides = [1, 1]} : vector<1024x384xf32> to vector<1024x128xf32>
      %add3A_370 = arith.addf %slice3A_368, %slice3A_369 : vector<1024x128xf32>
      %mul3A_371 = arith.constant 5.000000e-01 : f32
      %mul3A_372 = vector.broadcast %mul3A_371 : f32 to vector<1024x128xf32>
      %mul3A_373 = arith.mulf %mul3A_372, %add3A_370 : vector<1024x128xf32>
      %tanh3A_374 = math.tanh %mul3A_373 : vector<1024x128xf32>
      %mul3A_375 = arith.constant 5.000000e-01 : f32
      %mul3A_376 = vector.broadcast %mul3A_375 : f32 to vector<1024x128xf32>
      %mul3A_377 = arith.mulf %mul3A_376, %tanh3A_374 : vector<1024x128xf32>
      %add3A_378 = arith.constant 5.000000e-01 : f32
      %add3A_379 = vector.broadcast %add3A_378 : f32 to vector<1024x128xf32>
      %add3A_380 = arith.addf %mul3A_377, %add3A_379 : vector<1024x128xf32>
      %slice3A_381 = vector.extract_strided_slice %add3A_349 {offsets = [0, 256], sizes = [1024, 128], strides = [1, 1]} : vector<1024x384xf32> to vector<1024x128xf32>
      %slice3A_382 = vector.extract_strided_slice %add3A_354 {offsets = [0, 256], sizes = [1024, 128], strides = [1, 1]} : vector<1024x384xf32> to vector<1024x128xf32>
      %mul3A_383 = arith.mulf %add3A_367, %slice3A_382 : vector<1024x128xf32>
      %add3A_384 = arith.addf %slice3A_381, %mul3A_383 : vector<1024x128xf32>
      %tanh3A_385 = math.tanh %add3A_384 : vector<1024x128xf32>
      %sub3A_386 = arith.constant 1.000000e+00 : f32
      %sub3A_387 = vector.broadcast %sub3A_386 : f32 to vector<1024x128xf32>
      %sub3A_388 = arith.subf %sub3A_387, %add3A_380 : vector<1024x128xf32>
      %mul3A_389 = arith.mulf %sub3A_388, %tanh3A_385 : vector<1024x128xf32>
      %mul3A_390 = arith.mulf %add3A_380, %add3A_202 : vector<1024x128xf32>
      %add3A_391 = arith.addf %mul3A_389, %mul3A_390 : vector<1024x128xf32>
      %get3A_392 = arith.index_cast %rem3A_299 : i32 to index
      %get3A_393 = arith.constant 1 : index
      %get3A_394 = arith.constant 0 : index
      %get3A_395 = arith.constant 0 : index
      %get3A_396 = vector.load %arg10[%get3A_392, %get3A_393, %get3A_394, %get3A_395] : memref<2x2x1024x128xf32, #tpu.memory_space<vmem>>, vector<1x1x1024x128xf32>
      %get3A_397 = vector.shape_cast %get3A_396 : vector<1x1x1024x128xf32> to vector<1024x128xf32>
      %slice3A_398 = vector.extract_strided_slice %get3A_397 {offsets = [0, 0], sizes = [1024, 64], strides = [1, 1]} : vector<1024x128xf32> to vector<1024x64xf32>
      %convert_element_type3A_399 = arith.truncf %slice3A_398 : vector<1024x64xf32> to vector<1024x64xbf16>
      %dot_general3A_400 = arith.constant dense<0.000000e+00> : vector<1024x384xf32>
      %dot_general3A_401 = tpu.matmul %convert_element_type3A_399, %get3A_7, %dot_general3A_400 {dimension_numbers = #tpu.dot_dimension_numbers<[1], [0], [0], [1], [0, 0, 1, 1], [], []>, transpose_lhs_hint = false} : vector<1024x64xbf16>, vector<64x384xbf16>, vector<1024x384xf32> -> vector<1024x384xf32>
      %add3A_402 = vector.broadcast %get3A_19 : vector<1x384xf32> to vector<1024x384xf32>
      %add3A_403 = arith.addf %dot_general3A_401, %add3A_402 : vector<1024x384xf32>
      %convert_element_type3A_404 = arith.truncf %add3A_256 : vector<1024x128xf32> to vector<1024x128xbf16>
      %dot_general3A_405 = arith.constant dense<0.000000e+00> : vector<1024x384xf32>
      %dot_general3A_406 = tpu.matmul %convert_element_type3A_404, %get3A_10, %dot_general3A_405 {dimension_numbers = #tpu.dot_dimension_numbers<[1], [0], [0], [1], [0, 0, 1, 1], [], []>, transpose_lhs_hint = false} : vector<1024x128xbf16>, vector<128x384xbf16>, vector<1024x384xf32> -> vector<1024x384xf32>
      %add3A_407 = vector.broadcast %get3A_22 : vector<1x384xf32> to vector<1024x384xf32>
      %add3A_408 = arith.addf %dot_general3A_406, %add3A_407 : vector<1024x384xf32>
      %slice3A_409 = vector.extract_strided_slice %add3A_403 {offsets = [0, 0], sizes = [1024, 128], strides = [1, 1]} : vector<1024x384xf32> to vector<1024x128xf32>
      %slice3A_410 = vector.extract_strided_slice %add3A_408 {offsets = [0, 0], sizes = [1024, 128], strides = [1, 1]} : vector<1024x384xf32> to vector<1024x128xf32>
      %add3A_411 = arith.addf %slice3A_409, %slice3A_410 : vector<1024x128xf32>
      %mul3A_412 = arith.constant 5.000000e-01 : f32
      %mul3A_413 = vector.broadcast %mul3A_412 : f32 to vector<1024x128xf32>
      %mul3A_414 = arith.mulf %mul3A_413, %add3A_411 : vector<1024x128xf32>
      %tanh3A_415 = math.tanh %mul3A_414 : vector<1024x128xf32>
      %mul3A_416 = arith.constant 5.000000e-01 : f32
      %mul3A_417 = vector.broadcast %mul3A_416 : f32 to vector<1024x128xf32>
      %mul3A_418 = arith.mulf %mul3A_417, %tanh3A_415 : vector<1024x128xf32>
      %add3A_419 = arith.constant 5.000000e-01 : f32
      %add3A_420 = vector.broadcast %add3A_419 : f32 to vector<1024x128xf32>
      %add3A_421 = arith.addf %mul3A_418, %add3A_420 : vector<1024x128xf32>
      %slice3A_422 = vector.extract_strided_slice %add3A_403 {offsets = [0, 128], sizes = [1024, 128], strides = [1, 1]} : vector<1024x384xf32> to vector<1024x128xf32>
      %slice3A_423 = vector.extract_strided_slice %add3A_408 {offsets = [0, 128], sizes = [1024, 128], strides = [1, 1]} : vector<1024x384xf32> to vector<1024x128xf32>
      %add3A_424 = arith.addf %slice3A_422, %slice3A_423 : vector<1024x128xf32>
      %mul3A_425 = arith.constant 5.000000e-01 : f32
      %mul3A_426 = vector.broadcast %mul3A_425 : f32 to vector<1024x128xf32>
      %mul3A_427 = arith.mulf %mul3A_426, %add3A_424 : vector<1024x128xf32>
      %tanh3A_428 = math.tanh %mul3A_427 : vector<1024x128xf32>
      %mul3A_429 = arith.constant 5.000000e-01 : f32
      %mul3A_430 = vector.broadcast %mul3A_429 : f32 to vector<1024x128xf32>
      %mul3A_431 = arith.mulf %mul3A_430, %tanh3A_428 : vector<1024x128xf32>
      %add3A_432 = arith.constant 5.000000e-01 : f32
      %add3A_433 = vector.broadcast %add3A_432 : f32 to vector<1024x128xf32>
      %add3A_434 = arith.addf %mul3A_431, %add3A_433 : vector<1024x128xf32>
      %slice3A_435 = vector.extract_strided_slice %add3A_403 {offsets = [0, 256], sizes = [1024, 128], strides = [1, 1]} : vector<1024x384xf32> to vector<1024x128xf32>
      %slice3A_436 = vector.extract_strided_slice %add3A_408 {offsets = [0, 256], sizes = [1024, 128], strides = [1, 1]} : vector<1024x384xf32> to vector<1024x128xf32>
      %mul3A_437 = arith.mulf %add3A_421, %slice3A_436 : vector<1024x128xf32>
      %add3A_438 = arith.addf %slice3A_435, %mul3A_437 : vector<1024x128xf32>
      %tanh3A_439 = math.tanh %add3A_438 : vector<1024x128xf32>
      %sub3A_440 = arith.constant 1.000000e+00 : f32
      %sub3A_441 = vector.broadcast %sub3A_440 : f32 to vector<1024x128xf32>
      %sub3A_442 = arith.subf %sub3A_441, %add3A_434 : vector<1024x128xf32>
      %mul3A_443 = arith.mulf %sub3A_442, %tanh3A_439 : vector<1024x128xf32>
      %mul3A_444 = arith.mulf %add3A_434, %add3A_256 : vector<1024x128xf32>
      %add3A_445 = arith.addf %mul3A_443, %mul3A_444 : vector<1024x128xf32>
      %swap3A_446 = arith.index_cast %rem3A_299 : i32 to index
      %swap3A_447 = arith.constant 0 : index
      %swap3A_448 = arith.constant 0 : index
      %swap3A_449 = arith.constant 0 : index
      %swap3A_450 = vector.load %arg11[%swap3A_446, %swap3A_447, %swap3A_448, %swap3A_449] : memref<2x2x1024x128xf32, #tpu.memory_space<vmem>>, vector<1x1x1024x128xf32>
      %swap3A_451 = vector.shape_cast %swap3A_450 : vector<1x1x1024x128xf32> to vector<1024x128xf32>
      %swap3A_452 = vector.shape_cast %add3A_391 : vector<1024x128xf32> to vector<1x1x1024x128xf32>
      tpu.vector_store %arg11[%swap3A_446, %swap3A_447, %swap3A_448, %swap3A_449], %swap3A_452 {strides = array<i32>} : memref<2x2x1024x128xf32, #tpu.memory_space<vmem>>, vector<1x1x1024x128xf32>,
      %swap3A_453 = arith.index_cast %rem3A_299 : i32 to index
      %swap3A_454 = arith.constant 1 : index
      %swap3A_455 = arith.constant 0 : index
      %swap3A_456 = arith.constant 0 : index
      %swap3A_457 = vector.load %arg11[%swap3A_453, %swap3A_454, %swap3A_455, %swap3A_456] : memref<2x2x1024x128xf32, #tpu.memory_space<vmem>>, vector<1x1x1024x128xf32>
      %swap3A_458 = vector.shape_cast %swap3A_457 : vector<1x1x1024x128xf32> to vector<1024x128xf32>
      %swap3A_459 = vector.shape_cast %add3A_445 : vector<1024x128xf32> to vector<1x1x1024x128xf32>
      tpu.vector_store %arg11[%swap3A_453, %swap3A_454, %swap3A_455, %swap3A_456], %swap3A_459 {strides = array<i32>} : memref<2x2x1024x128xf32, #tpu.memory_space<vmem>>, vector<1x1x1024x128xf32>,
      %dma_start3A_460 = arith.constant 0 : i32
      %dma_start3A_461 = arith.constant 0 : i32
      %dma_start3A_462 = tpu.memref_slice %arg13[%rem3A_299, %dma_start3A_461] : memref<2x2x!tpu.dma_semaphore, #tpu.memory_space<semaphore_mem>> -> memref<1x1x!tpu.dma_semaphore, #tpu.memory_space<semaphore_mem>>
      %dma_start3A_463 = tpu.memref_squeeze %dma_start3A_462 : memref<1x1x!tpu.dma_semaphore, #tpu.memory_space<semaphore_mem>> -> memref<!tpu.dma_semaphore, #tpu.memory_space<semaphore_mem>>
      %dma_start3A_464 = arith.constant 0 : i32
      %dma_start3A_465 = arith.constant 0 : i32
      %dma_start3A_466 = tpu.memref_slice %arg9[%scan3A_297, %dma_start3A_464, %dma_start3A_465] : memref<50x1024x256xf32, #tpu.memory_space<any>> -> memref<1x1024x128xf32, #tpu.memory_space<any>>
      %dma_start3A_467 = tpu.memref_squeeze %dma_start3A_466 : memref<1x1024x128xf32, #tpu.memory_space<any>> -> memref<1024x128xf32, #tpu.memory_space<any>>
      %dma_start3A_468 = arith.constant 0 : i32
      %dma_start3A_469 = arith.constant 0 : i32
      %dma_start3A_470 = tpu.memref_slice %arg11[%rem3A_299, %dma_start3A_460, %dma_start3A_468, %dma_start3A_469] : memref<2x2x1024x128xf32, #tpu.memory_space<vmem>> -> memref<1x1x1024x128xf32, #tpu.memory_space<vmem>>
      %dma_start3A_471 = tpu.memref_squeeze %dma_start3A_470 : memref<1x1x1024x128xf32, #tpu.memory_space<vmem>> -> memref<1024x128xf32, #tpu.memory_space<vmem>>
      tpu.enqueue_dma source(%dma_start3A_471 : memref<1024x128xf32, #tpu.memory_space<vmem>>) target(%dma_start3A_467 : memref<1024x128xf32, #tpu.memory_space<any>>) target_semaphore(%dma_start3A_463 : memref<!tpu.dma_semaphore, #tpu.memory_space<semaphore_mem>>)
      %sub3A_472 = arith.constant 49 : i32
      %sub3A_473 = arith.subi %sub3A_472, %scan3A_297 : i32
      %dma_start3A_474 = arith.constant 1 : i32
      %dma_start3A_475 = arith.constant 1 : i32
      %dma_start3A_476 = tpu.memref_slice %arg13[%rem3A_299, %dma_start3A_475] : memref<2x2x!tpu.dma_semaphore, #tpu.memory_space<semaphore_mem>> -> memref<1x1x!tpu.dma_semaphore, #tpu.memory_space<semaphore_mem>>
      %dma_start3A_477 = tpu.memref_squeeze %dma_start3A_476 : memref<1x1x!tpu.dma_semaphore, #tpu.memory_space<semaphore_mem>> -> memref<!tpu.dma_semaphore, #tpu.memory_space<semaphore_mem>>
      %dma_start3A_478 = arith.constant 0 : i32
      %dma_start3A_479 = arith.constant 128 : i32
      %dma_start3A_480 = tpu.memref_slice %arg9[%sub3A_473, %dma_start3A_478, %dma_start3A_479] : memref<50x1024x256xf32, #tpu.memory_space<any>> -> memref<1x1024x128xf32, #tpu.memory_space<any>>
      %dma_start3A_481 = tpu.memref_squeeze %dma_start3A_480 : memref<1x1024x128xf32, #tpu.memory_space<any>> -> memref<1024x128xf32, #tpu.memory_space<any>>
      %dma_start3A_482 = arith.constant 0 : i32
      %dma_start3A_483 = arith.constant 0 : i32
      %dma_start3A_484 = tpu.memref_slice %arg11[%rem3A_299, %dma_start3A_474, %dma_start3A_482, %dma_start3A_483] : memref<2x2x1024x128xf32, #tpu.memory_space<vmem>> -> memref<1x1x1024x128xf32, #tpu.memory_space<vmem>>
      %dma_start3A_485 = tpu.memref_squeeze %dma_start3A_484 : memref<1x1x1024x128xf32, #tpu.memory_space<vmem>> -> memref<1024x128xf32, #tpu.memory_space<vmem>>
      tpu.enqueue_dma source(%dma_start3A_485 : memref<1024x128xf32, #tpu.memory_space<vmem>>) target(%dma_start3A_481 : memref<1024x128xf32, #tpu.memory_space<any>>) target_semaphore(%dma_start3A_477 : memref<!tpu.dma_semaphore, #tpu.memory_space<semaphore_mem>>)
      scf.yield %add3A_391, %add3A_445 : vector<1024x128xf32>, vector<1024x128xf32>
    }
    %scan3A_57 = arith.constant 50 : i32
    %dma_wait3A = arith.constant 0 : i32
    %dma_wait3A_58 = arith.constant 0 : i32
    %dma_wait3A_59 = arith.constant 48 : i32
    %dma_wait3A_60 = arith.constant 0 : i32
    %dma_wait3A_61 = arith.constant 0 : i32
    %dma_wait3A_62 = tpu.memref_slice %arg13[%dma_wait3A_60, %dma_wait3A_61] : memref<2x2x!tpu.dma_semaphore, #tpu.memory_space<semaphore_mem>> -> memref<1x1x!tpu.dma_semaphore, #tpu.memory_space<semaphore_mem>>
    %dma_wait3A_63 = tpu.memref_squeeze %dma_wait3A_62 : memref<1x1x!tpu.dma_semaphore, #tpu.memory_space<semaphore_mem>> -> memref<!tpu.dma_semaphore, #tpu.memory_space<semaphore_mem>>
    %dma_wait3A_64 = arith.constant 0 : i32
    %dma_wait3A_65 = arith.constant 0 : i32
    %dma_wait3A_66 = tpu.memref_slice %arg9[%dma_wait3A_59, %dma_wait3A_64, %dma_wait3A_65] : memref<50x1024x256xf32, #tpu.memory_space<any>> -> memref<1x1024x128xf32, #tpu.memory_space<any>>
    %dma_wait3A_67 = tpu.memref_squeeze %dma_wait3A_66 : memref<1x1024x128xf32, #tpu.memory_space<any>> -> memref<1024x128xf32, #tpu.memory_space<any>>
    %dma_wait3A_68 = arith.constant 0 : i32
    %dma_wait3A_69 = arith.constant 0 : i32
    %dma_wait3A_70 = tpu.memref_slice %arg11[%dma_wait3A, %dma_wait3A_58, %dma_wait3A_68, %dma_wait3A_69] : memref<2x2x1024x128xf32, #tpu.memory_space<vmem>> -> memref<1x1x1024x128xf32, #tpu.memory_space<vmem>>
    %dma_wait3A_71 = tpu.memref_squeeze %dma_wait3A_70 : memref<1x1x1024x128xf32, #tpu.memory_space<vmem>> -> memref<1024x128xf32, #tpu.memory_space<vmem>>
    tpu.wait_dma2 semaphore(%dma_wait3A_63 : memref<!tpu.dma_semaphore, #tpu.memory_space<semaphore_mem>>) src(%dma_wait3A_71 : memref<1024x128xf32, #tpu.memory_space<vmem>>) dst(%dma_wait3A_67 : memref<1024x128xf32, #tpu.memory_space<any>>)
    %dma_wait3A_72 = arith.constant 0 : i32
    %dma_wait3A_73 = arith.constant 1 : i32
    %dma_wait3A_74 = arith.constant 1 : i32
    %dma_wait3A_75 = arith.constant 0 : i32
    %dma_wait3A_76 = arith.constant 1 : i32
    %dma_wait3A_77 = tpu.memref_slice %arg13[%dma_wait3A_75, %dma_wait3A_76] : memref<2x2x!tpu.dma_semaphore, #tpu.memory_space<semaphore_mem>> -> memref<1x1x!tpu.dma_semaphore, #tpu.memory_space<semaphore_mem>>
    %dma_wait3A_78 = tpu.memref_squeeze %dma_wait3A_77 : memref<1x1x!tpu.dma_semaphore, #tpu.memory_space<semaphore_mem>> -> memref<!tpu.dma_semaphore, #tpu.memory_space<semaphore_mem>>
    %dma_wait3A_79 = arith.constant 0 : i32
    %dma_wait3A_80 = arith.constant 128 : i32
    %dma_wait3A_81 = tpu.memref_slice %arg9[%dma_wait3A_74, %dma_wait3A_79, %dma_wait3A_80] : memref<50x1024x256xf32, #tpu.memory_space<any>> -> memref<1x1024x128xf32, #tpu.memory_space<any>>
    %dma_wait3A_82 = tpu.memref_squeeze %dma_wait3A_81 : memref<1x1024x128xf32, #tpu.memory_space<any>> -> memref<1024x128xf32, #tpu.memory_space<any>>
    %dma_wait3A_83 = arith.constant 0 : i32
    %dma_wait3A_84 = arith.constant 0 : i32
    %dma_wait3A_85 = tpu.memref_slice %arg11[%dma_wait3A_72, %dma_wait3A_73, %dma_wait3A_83, %dma_wait3A_84] : memref<2x2x1024x128xf32, #tpu.memory_space<vmem>> -> memref<1x1x1024x128xf32, #tpu.memory_space<vmem>>
    %dma_wait3A_86 = tpu.memref_squeeze %dma_wait3A_85 : memref<1x1x1024x128xf32, #tpu.memory_space<vmem>> -> memref<1024x128xf32, #tpu.memory_space<vmem>>
    tpu.wait_dma2 semaphore(%dma_wait3A_78 : memref<!tpu.dma_semaphore, #tpu.memory_space<semaphore_mem>>) src(%dma_wait3A_86 : memref<1024x128xf32, #tpu.memory_space<vmem>>) dst(%dma_wait3A_82 : memref<1024x128xf32, #tpu.memory_space<any>>)
    %dma_wait3A_87 = arith.constant 1 : i32
    %dma_wait3A_88 = arith.constant 0 : i32
    %dma_wait3A_89 = arith.constant 49 : i32
    %dma_wait3A_90 = arith.constant 1 : i32
    %dma_wait3A_91 = arith.constant 0 : i32
    %dma_wait3A_92 = tpu.memref_slice %arg13[%dma_wait3A_90, %dma_wait3A_91] : memref<2x2x!tpu.dma_semaphore, #tpu.memory_space<semaphore_mem>> -> memref<1x1x!tpu.dma_semaphore, #tpu.memory_space<semaphore_mem>>
    %dma_wait3A_93 = tpu.memref_squeeze %dma_wait3A_92 : memref<1x1x!tpu.dma_semaphore, #tpu.memory_space<semaphore_mem>> -> memref<!tpu.dma_semaphore, #tpu.memory_space<semaphore_mem>>
    %dma_wait3A_94 = arith.constant 0 : i32
    %dma_wait3A_95 = arith.constant 0 : i32
    %dma_wait3A_96 = tpu.memref_slice %arg9[%dma_wait3A_89, %dma_wait3A_94, %dma_wait3A_95] : memref<50x1024x256xf32, #tpu.memory_space<any>> -> memref<1x1024x128xf32, #tpu.memory_space<any>>
    %dma_wait3A_97 = tpu.memref_squeeze %dma_wait3A_96 : memref<1x1024x128xf32, #tpu.memory_space<any>> -> memref<1024x128xf32, #tpu.memory_space<any>>
    %dma_wait3A_98 = arith.constant 0 : i32
    %dma_wait3A_99 = arith.constant 0 : i32
    %dma_wait3A_100 = tpu.memref_slice %arg11[%dma_wait3A_87, %dma_wait3A_88, %dma_wait3A_98, %dma_wait3A_99] : memref<2x2x1024x128xf32, #tpu.memory_space<vmem>> -> memref<1x1x1024x128xf32, #tpu.memory_space<vmem>>
    %dma_wait3A_101 = tpu.memref_squeeze %dma_wait3A_100 : memref<1x1x1024x128xf32, #tpu.memory_space<vmem>> -> memref<1024x128xf32, #tpu.memory_space<vmem>>
    tpu.wait_dma2 semaphore(%dma_wait3A_93 : memref<!tpu.dma_semaphore, #tpu.memory_space<semaphore_mem>>) src(%dma_wait3A_101 : memref<1024x128xf32, #tpu.memory_space<vmem>>) dst(%dma_wait3A_97 : memref<1024x128xf32, #tpu.memory_space<any>>)
    %dma_wait3A_102 = arith.constant 1 : i32
    %dma_wait3A_103 = arith.constant 1 : i32
    %dma_wait3A_104 = arith.constant 0 : i32
    %dma_wait3A_105 = arith.constant 1 : i32
    %dma_wait3A_106 = arith.constant 1 : i32
    %dma_wait3A_107 = tpu.memref_slice %arg13[%dma_wait3A_105, %dma_wait3A_106] : memref<2x2x!tpu.dma_semaphore, #tpu.memory_space<semaphore_mem>> -> memref<1x1x!tpu.dma_semaphore, #tpu.memory_space<semaphore_mem>>
    %dma_wait3A_108 = tpu.memref_squeeze %dma_wait3A_107 : memref<1x1x!tpu.dma_semaphore, #tpu.memory_space<semaphore_mem>> -> memref<!tpu.dma_semaphore, #tpu.memory_space<semaphore_mem>>
    %dma_wait3A_109 = arith.constant 0 : i32
    %dma_wait3A_110 = arith.constant 128 : i32
    %dma_wait3A_111 = tpu.memref_slice %arg9[%dma_wait3A_104, %dma_wait3A_109, %dma_wait3A_110] : memref<50x1024x256xf32, #tpu.memory_space<any>> -> memref<1x1024x128xf32, #tpu.memory_space<any>>
    %dma_wait3A_112 = tpu.memref_squeeze %dma_wait3A_111 : memref<1x1024x128xf32, #tpu.memory_space<any>> -> memref<1024x128xf32, #tpu.memory_space<any>>
    %dma_wait3A_113 = arith.constant 0 : i32
    %dma_wait3A_114 = arith.constant 0 : i32
    %dma_wait3A_115 = tpu.memref_slice %arg11[%dma_wait3A_102, %dma_wait3A_103, %dma_wait3A_113, %dma_wait3A_114] : memref<2x2x1024x128xf32, #tpu.memory_space<vmem>> -> memref<1x1x1024x128xf32, #tpu.memory_space<vmem>>
    %dma_wait3A_116 = tpu.memref_squeeze %dma_wait3A_115 : memref<1x1x1024x128xf32, #tpu.memory_space<vmem>> -> memref<1024x128xf32, #tpu.memory_space<vmem>>
    tpu.wait_dma2 semaphore(%dma_wait3A_108 : memref<!tpu.dma_semaphore, #tpu.memory_space<semaphore_mem>>) src(%dma_wait3A_116 : memref<1024x128xf32, #tpu.memory_space<vmem>>) dst(%dma_wait3A_112 : memref<1024x128xf32, #tpu.memory_space<any>>)
    return
  }
}

</mosaic_0001>

<sc_bundles>
// kernel: kernel.4.cloned.1.call-start
scs
__scs_entry_jumppad:
0x0: {  	(pc) =	sbr.rel $0x88, $3  }
0x1: {  	(tag) =	ssettag $0x0;
	lr =	simm.s32 $0x1  }
0x2: {  	[smem:$0x3F97] =	sst lr;
	_ =	strace $0xD0000000  }
0x3: {  	_ = 	snop  }
0x4: {  	_ = 	snop  }
0x5: {  	_ = 	snop  }
0x6: {  	_ = 	snop  }
0x7: {  	_ = 	snop  }
__scs_overlays_trampoline_lowered:
0x8: {  	[smem:$0x3FA6] =	sst s0  }
0x9: {  	[smem:$0x3FA7] =	sst s1  }
0xa: {  	[smem:$0x3FA8] =	sst s2  }
0xb: {  	[smem:$0x3FA9] =	sst s3  }
0xc: {  	[smem:$0x3FAA] =	sst s4  }
0xd: {  	[smem:$0x3FAB] =	sst s5  }
0xe: {  	[smem:$0x3FAC] =	sst s6  }
0xf: {  	[smem:$0x3FAD] =	sst s7  }
0x10: {  	[smem:$0x3FAE] =	sst s8  }
0x11: {  	[smem:$0x3FAF] =	sst s9;
	s0 =	simm.s32 @!p0 $0x0  }
0x12: {  	s1 =	sld [smem:$0x3F95];
	s0 =	simm.s32 @p0 $0x1  }
0x13: {  	[smem:$0x3FB0] =	sst s0;
	s0 =	simm.s32 @!p1 $0x0  }
0x14: {  	s2 =	sld [smem:$0x3F94];
	s0 =	simm.s32 @p1 $0x1  }
0x15: {  	[smem:$0x3FB1] =	sst s0;
	s0 =	simm.s32 @!p2 $0x0  }
0x16: {  	s3 =	sld [smem:$0x3FDB];
	s0 =	simm.s32 @p2 $0x1  }
0x17: {  	s4 =	simm.s32 $0x1BF5;
	[smem:$0x3FB3] =	sst s0  }
0x18: {  	s0 =	sld [smem:$0x3F96];
	_ =	swait.ge [sflag:s4], $0x0  }
0x19: {  	s7 =	sld [smem:$0x3F97]  }
0x1a: {  	s8 =	sadd.s32 $0xFFFFE003, lr  }
0x1b: {  	s9 =	sadd.s32 $0xFFFFFEF7, lr;
	s5 =	simm.s32 $0xFFFFFFFF;
	p2 =	slt.u32 s8, $0xFFFFF086  }
0x1c: {  	p1 =	slt.u32 s9, $0xF7A;
	s5 =	simm.s32 @!p2 $0x0  }
0x1d: {  	s5 =	simm.s32 @p1 $0x1;
	p0 =	seq.s32 s7, s2  }
0x1e: {  	s7 =	smul.u32 @!p0 $0xF7A, s2;
	p2 =	seq.s32 @!p0 s5, $0x0  }
0x1f: {  	s9 =	smul.u32 $0xF7A, s1;
	s8 =	simm.s32 @!p0 $0x1BF5;
	p2 =	por !p2, p0  }
0x20: {  	[sflag:s8] =	ssyncset.s32 @!p0 $0xFFFFF086;
	s6 =	sadd.s32 @!p0 s3, s7;
	s7 =	simm.s32 @!p0 $0x108  }
0x21: {  	s3 =	sadd.s32 s3, s9;
	s6 =	sadd.s32 @!p0 $0x88, s6;
	s7 =	simm.s32 @p2 $0x1082  }
0x22: {  	[simem:s7], [sflag:s8] =	dma.local @!p0 [hbm:s6], $0xF7A  }
0x23: {  	s9 =	sor.u32 $0xD0000000, s2;
	s6 =	simm.s32 $0x108;
	_ =	swait.ge @!p0 [sflag:s8], $0x0  }
0x24: {  	s3 =	sadd.s32 $0x88, s3;
	s6 =	simm.s32 @!p1 $0x1082;
	[sflag:s4] =	ssyncset.s32 $0xFFFFF086  }
0x25: {  	[simem:s6], [sflag:s4] =	dma.local [hbm:s3], $0xF7A  }
0x26: {  	[smem:$0x3F97] =	sst s1;
	(tag) =	ssettag s2;
	_ =	strace s9  }
0x27: {  	s1 =	sld [smem:$0x3FA7]  }
0x28: {  	s2 =	sld [smem:$0x3FA8]  }
0x29: {  	s4 =	sld [smem:$0x3FAA]  }
0x2a: {  	p0 =	seq.s32 s5, $0x0;
	s5 =	sld [smem:$0x3FAB]  }
0x2b: {  	s6 =	sld [smem:$0x3FAC]  }
0x2c: {  	s7 =	sld [smem:$0x3FAD]  }
0x2d: {  	s3 =	simm.s32 $0x108;
	s8 =	sld [smem:$0x3FAE]  }
0x2e: {  	s3 =	simm.s32 @!p0 $0x1082;
	s9 =	sld [smem:$0x3FAF]  }
0x2f: {  	lr =	sadd.s32 s0, s3;
	s0 =	sld [smem:$0x3FA6]  }
0x30: {  	s3 =	sld [smem:$0x3FA9]  }
0x31: {  	[smem:$0x3FB2] =	sst s10  }
0x32: {  	s10 =	sld [smem:$0x3FB0];
	_ =	sdelay $0x3  }
0x33: {  	p0 =	seq.s32 s10, $0x1;
	s10 =	sld [smem:$0x3FB2];
	_ =	sdelay $0x3  }
0x34: {  	[smem:$0x3FB2] =	sst s10  }
0x35: {  	s10 =	sld [smem:$0x3FB1];
	_ =	sdelay $0x3  }
0x36: {  	p1 =	seq.s32 s10, $0x1;
	s10 =	sld [smem:$0x3FB2];
	_ =	sdelay $0x3  }
0x37: {  	[smem:$0x3FB2] =	sst s10  }
0x38: {  	s10 =	sld [smem:$0x3FB3]  }
0x39: {  	_ = 	snop;
	(pc) =	sbr.ind lr, $3  }
0x3a: {  	_ = 	snop  }
0x3b: {  	_ = 	snop  }
0x3c: {  	p2 =	seq.s32 s10, $0x1;
	s10 =	sld [smem:$0x3FB2]  }
0x3d: {  	_ =	shalt  }
0x3e: {  	_ =	shalt  }
0x3f: {  	_ =	shalt  }
0x40: {  	_ =	shalt  }
0x41: {  	_ =	shalt  }
0x42: {  	_ =	shalt  }
0x43: {  	_ =	shalt  }
0x44: {  	_ =	shalt  }
0x45: {  	_ =	shalt  }
0x46: {  	_ =	shalt  }
0x47: {  	_ =	shalt  }
0x48: {  	_ =	shalt  }
0x49: {  	_ =	shalt  }
0x4a: {  	_ =	shalt  }
0x4b: {  	_ =	shalt  }
0x4c: {  	_ =	shalt  }
0x4d: {  	_ =	shalt  }
0x4e: {  	_ =	shalt  }
0x4f: {  	_ =	shalt  }
0x50: {  	_ =	shalt  }
0x51: {  	_ =	shalt  }
0x52: {  	_ =	shalt  }
0x53: {  	_ =	shalt  }
0x54: {  	_ =	shalt  }
0x55: {  	_ =	shalt  }
0x56: {  	_ =	shalt  }
0x57: {  	_ =	shalt  }
0x58: {  	_ =	shalt  }
0x59: {  	_ =	shalt  }
0x5a: {  	_ =	shalt  }
0x5b: {  	_ =	shalt  }
0x5c: {  	_ =	shalt  }
0x5d: {  	_ =	shalt  }
0x5e: {  	_ =	shalt  }
0x5f: {  	_ =	shalt  }
0x60: {  	_ =	shalt  }
0x61: {  	_ =	shalt  }
0x62: {  	_ =	shalt  }
0x63: {  	_ =	shalt  }
0x64: {  	_ =	shalt  }
0x65: {  	_ =	shalt  }
0x66: {  	_ =	shalt  }
0x67: {  	_ =	shalt  }
0x68: {  	_ =	shalt  }
0x69: {  	_ =	shalt  }
0x6a: {  	_ =	shalt  }
0x6b: {  	_ =	shalt  }
0x6c: {  	_ =	shalt  }
0x6d: {  	_ =	shalt  }
0x6e: {  	_ =	shalt  }
0x6f: {  	_ =	shalt  }
0x70: {  	_ =	shalt  }
0x71: {  	_ =	shalt  }
0x72: {  	_ =	shalt  }
0x73: {  	_ =	shalt  }
0x74: {  	_ =	shalt  }
0x75: {  	_ =	shalt  }
0x76: {  	_ =	shalt  }
0x77: {  	_ =	shalt  }
0x78: {  	_ =	shalt  }
0x79: {  	_ =	shalt  }
0x7a: {  	_ =	shalt  }
0x7b: {  	_ =	shalt  }
0x7c: {  	_ =	shalt  }
0x7d: {  	_ =	shalt  }
0x7e: {  	_ =	shalt  }
0x7f: {  	_ =	shalt  }
0x80: {  	_ =	shalt  }
0x81: {  	_ =	shalt  }
0x82: {  	_ =	shalt  }
0x83: {  	_ =	shalt  }
0x84: {  	_ =	shalt  }
0x85: {  	_ =	shalt  }
0x86: {  	_ =	shalt  }
0x87: {  	_ =	shalt  }
.Lfunc_end0:
.L_simem_size_0:
called_computation_lowered:
.L_overlay_start_0:
0x88: {  	s2 =	sld [smem:$0x3FD9]  }
0x89: {  	s3 =	sld [smem:$0x3FFE];
	_ =	sdelay $0x1  }
0x8a: {  	s1 =	srdreg.scid  }
0x8b: {  	s0 =	sand.u32 $0x1, s1  }
0x8c: {  	s16 =	sshll.u32 s0, $0xA;
	s2 =	sadd.s32 s3, s2  }
0x8d: {  	s2 =	sadd.s32 s2, s16  }
0x8e: {  	[smem:$0x3FBE] =	sst s2  }
0x8f: {  	_ = 	snop  }
0x90: {  	(tm) =	ssettm $0x1  }
0x91: {  	s17 =	sld [smem:$0x3FFB];
	_ =	sdelay $0x3  }
0x92: {  	_ =	strace s17  }
0x93: {  	s2 =	sld [smem:$0x3FFC];
	_ =	sdelay $0x3  }
0x94: {  	_ =	strace s2  }
0x95: {  	s2 =	sld [smem:$0x3FFD];
	_ =	sdelay $0x3  }
0x96: {  	_ =	strace s2  }
0x97: {  	_ =	strace $0x8FFFFFFF  }
0x98: {  	s18 =	sld [smem:$0x3FDB];
	_ =	sdelay $0x1  }
0x99: {  	s19 =	simm.s32 $_scs_section_size  }
0x9a: {  	s4 =	simm.s32 $_size__tile_overlayer_lowered;
	s5 =	simm.s32 $_tile_overlayer_lowered  }
0x9b: {  	s22 =	simm.s32 $0x1BFF;
	s21 =	sshll.u32 s5, $0x1;
	s2 =	sadd.s32 s19, s18  }
0x9c: {  	s6 =	simm.s32 $0x0;
	s20 =	sshll.u32 s4, $0x1;
	s4 =	sadd.s32 s21, s2  }
0x9d: {  	[timem:s6], [sflag:s22] =	dma.local [hbm:s4], s20  }
0x9e: {  	_ =	swait.ge [sflag:s22], s20  }
0x9f: {  	s3 =	ssub.s32 $0x0, s20;
	[sflag:s22] =	ssyncset.done $0x0  }
0xa0: {  	[sflag:s22] =	ssyncadd.s32 s3;
	_ =	sdelay $0x1  }
0xa1: {  	s23 =	simm.s32 $0x1B8B  }
0xa2: {  	_ =	swait.ge [sflag:s23], $0x1  }
0xa3: {  	[sflag:s23] =	ssyncset.done $0x0  }
0xa4: {  	s25 =	simm.s32 $0x1B8E;
	s24 =	sld [smem:$0x3FFE];
	[sflag:s23] =	ssyncadd.s32 $0xFFFFFFFF  }
0xa5: {  	s26 =	simm.s32 $execute0_lowered;
	[smem:$0x3FD2] =	sst s25  }
0xa6: {  	s4 =	sshll.u32 s26, $0x1;
	_ =	strace $0x80000046;
	[dreg:$0x1] =	wrdreg $0xFFFFFFFF  }
0xa7: {  	s28 =	simm.s32 $_size_execute0_lowered;
	s2 =	sadd.s32 s2, s4;
	[dreg:$0x0] =	wrdreg $0x0  }
0xa8: {  	s4 =	sshll.u32 s28, $0x1;
	[dreg:$0x2] =	wrdreg s2  }
0xa9: {  	[dreg:$0x3] =	wrdreg s4  }
0xaa: {  	[dreg:$0x4] =	wrdreg $0xC0  }
0xab: {  	_ =	task [dreg:s6], $0x5FFFF  }
0xac: {  	[dreg:$0x1] =	wrdreg $0xFFFFFFFF  }
0xad: {  	[dreg:$0x0] =	wrdreg $0x60  }
0xae: {  	[dreg:$0x2] =	wrdreg s24  }
0xaf: {  	[dreg:$0x3] =	wrdreg $0x9  }
0xb0: {  	_ =	task.clear_ibuf [dreg:s6], $0x4FFFF;
	_ =	strace $0x90000046  }
0xb1: {  	s29 =	simm.s32 $0x9;
	_ =	strace $0x80000048  }
0xb2: {  	_ =	swait.ge [sflag:s29], $0x1  }
0xb3: {  	[sflag:s29] =	ssyncadd.s32 $0xFFFFFFFF  }
0xb4: {  	_ =	strace $0x90000048  }
0xb5: {  	_ =	sfence  }
0xb6: {  	s30 =	sld [smem:$0x0];
	_ =	sdelay $0x2  }
0xb7: {  	s31 =	sshll.u32 s1, $0xD;
	s1 =	sshrl.u32 s1, $0x2  }
0xb8: {  	s3 =	sand.u32 $0x4000, s31;
	s1 =	sadd.s32 s1, s30  }
0xb9: {  	s0 =	sor.u32 s3, s0;
	s1 =	sshll.u32 s1, $0x11  }
0xba: {  	s0 =	sor.u32 s1, s0  }
0xbb: {  	s0 =	sadd.s32 $0x8F2B, s0  }
0xbc: {  	[sflag:s0] =	ssyncadd.remote.s32 $0x1  }
0xbd: {  	_ =	sfence.sel $0xFFFF  }
0xbe: {  	[dreg:$0x0] =	wrdreg $0xFFFFFFFF;
	(pc) =	sbr.abs _section_cstart, $3  }
0xbf: {  	[dreg:$0x1] =	wrdreg $0xFFFFFFFF  }
0xc0: {  	_ =	task.clear_ibuf [dreg:s6], $0x2FFFF;
	_ =	strace $0x9FFFFFFF  }
0xc1: {  	(tm) =	ssettm $0x7FFFFFFF  }
tec
execute0_lowered:
.L_overlay_start_1:
0x0: {  	(tag) =	ssettag $0x1  }
0x1: {  	s1 =	srdreg.scid;
	s0 =	stileid.u32  }
0x2: {  	s6 =	sand.u32 $0x1, s1;
	s31 =	sshll.u32 s0, $0x1  }
0x3: {  	s8 =	rddreg [dreg:$0x0];
	s7 =	sor.u32 s6, s31  }
0x4: {  	s2 =	simm.s32 $0x0;
	s1 =	rddreg [dreg:$0x1];
	s3 =	smul.u32 $0xC8, s7  }
0x5: {  	[smem:$0x7FF] =	sst s2  }
0x6: {  	s5 =	sadd.s32 $0x3000, s8;
	_ =	strace $0x80000047;
	s3 =	sadd.s32 s3, s8  }
0x7: {  	s9 =	ssub.s32 $0x2, s6;
	s4 =	sadd.s32 $0x1600, s3;
	s3 =	simm.s32 $0x2  }
0x8: {  	[tilespmem:s2], [sflag:$0x2] =	stream.linear.gather [hbm4b:s4+s2], $0x640, $0x38;
	[tilespmem:$0x19640] =	vst v63  }
0x9: {  	s6 =	simm.s32 $0x640;
	s11 =	sshrl.u32 s9, $0x1;
	_ =	swait.ge [sflag:s3], $0x640  }
0xa: {  	s10 =	smul.u32 $0x6400, s7;
	s9 =	ssub.s32 s9, s11;
	[sflag:s3] =	ssyncset.done $0x0  }
0xb: {  	s7 =	simm.s32 $0x1;
	s11 =	smax.u32 s9, $0x1;
	[sflag:s3] =	ssyncadd.s32 $0xFFFFF9C0  }
0xc: {  	[tilespmem:s6], [sflag:$0x1] =	stream.indirect.gather [hbm4b:s5+s6], $0x40, s2, s6, $0xb8;
	[tilespmem:$0x19640] =	vst v63  }
0xd: {  	s8 =	sadd.s32 s10, s8;
	p0 =	sne.s32 s11, $0x1;
	_ =	swait.ge [sflag:s7], $0x19000  }
.Ltmp0:
0xe: {  	s9 =	simm.s32 $0x40;
	[sflag:s7] =	ssyncset.done $0x0;
	(pc) =	sbr.rel @!p0 .LBB2_2-.Ltmp0, $4  }
0xf: {  	s10 =	simm.s32 $0x80;
	s8 =	sadd.s32 $0xC6600, s8;
	[sflag:s7] =	ssyncadd.s32 $0xFFFE7000  }
0x10: {  	[hbm4b:s8+s9] =	stream.strided.scatter [tilespmem:s6], [sflag:$0x2], $0x19000, s10, s9, $0x38;
	[tilespmem:$0x19640] =	vst v63  }
0x11: {  	_ =	swait.ge [sflag:s3], $0x19000  }
0x12: {  	s11 =	sadd.s32 $0xFFFFFFFF, s11;
	[sflag:s3] =	ssyncset.done $0x0  }
.LBB2_1:
0x13: {  	p0 =	sne.s32 s11, $0x1;
	s11 =	sadd.s32 $0xFFFFFFFF, s11;
	[sflag:s3] =	ssyncadd.s32 $0xFFFE7000  }
0x14: {  	[tilespmem:s2], [sflag:$0x2] =	stream.linear.gather [hbm4b:s4+s2], $0x640, $0x38;
	[tilespmem:$0x19640] =	vst v63  }
0x15: {  	_ =	swait.ge [sflag:s3], $0x640  }
0x16: {  	[sflag:s3] =	ssyncset.done $0x0  }
0x17: {  	[sflag:s3] =	ssyncadd.s32 $0xFFFFF9C0  }
0x18: {  	[tilespmem:s6], [sflag:$0x1] =	stream.indirect.gather [hbm4b:s5+s6], $0x40, s2, s6, $0xb8;
	[tilespmem:$0x19640] =	vst v63  }
0x19: {  	_ =	swait.ge [sflag:s7], $0x19000  }
.Ltmp1:
0x1a: {  	[sflag:s7] =	ssyncset.done $0x0;
	(pc) =	sbr.rel @p0 .LBB2_1-.Ltmp1, $4  }
0x1b: {  	[sflag:s7] =	ssyncadd.s32 $0xFFFE7000  }
0x1c: {  	[hbm4b:s8+s9] =	stream.strided.scatter [tilespmem:s6], [sflag:$0x2], $0x19000, s10, s9, $0x38;
	[tilespmem:$0x19640] =	vst v63  }
0x1d: {  	_ =	swait.ge [sflag:s3], $0x19000  }
0x1e: {  	[sflag:s3] =	ssyncset.done $0x0  }
.LBB2_2:
0x1f: {  	[sflag:s3] =	ssyncadd.s32 $0xFFFE7000  }
0x20: {  	_ =	sfence.sel $0x180000  }
0x21: {  	[bflag:$0x0] =	sbarrier.arrive $0xFFFF  }
0x22: {  	p0 =	sne.s32 s0, $0x0;
	_ =	strace $0x90000047  }
0x23: {  	s0 =	sadd.s32 @!p0 $0x100000, s1;
	[bflag:$0x2] =	sbarrier.arrive $0xFFFF  }
0x24: {  	[sflag:s0] =	ssyncadd.tile.s32 @!p0 $0x1;
	_ =	shalt  }
.Lfunc_end2:
_tile_overlayer_lowered:
.L_overlay_start_2:
0x25: {  	(tag) =	ssettag $0x2  }
0x26: {  	s0 =	rddreg [dreg:$0x0];
	s2 =	stileid.u32  }
0x27: {  	s1 =	rddreg [dreg:$0x1];
	p0 =	sne.s32 s2, $0x0  }
0x28: {  	s3 =	rddreg [dreg:$0x2];
	[bflag:$0x3] =	sbarrier.arrive $0xFFFF;
	s2 =	simm.s32 @!p0 $0x1C02  }
0x29: {  	[timem:s3], [sflag:s2] =	dma.local @!p0 [hbm:s0], s1  }
0x2a: {  	s0 =	simm.s32 @!p0 $0x2  }
0x2b: {  	_ =	swait.ge @!p0 [sflag:s0], s1  }
0x2c: {  	s1 =	ssub.s32 @!p0 $0x0, s1;
	[sflag:s0] =	ssyncset.done @!p0 $0x0  }
0x2d: {  	[sflag:s0] =	ssyncadd.s32 @!p0 s1  }
0x2e: {  	[bflag:$0x3] =	sbarrier.arrive $0xFFFF  }
0x2f: {  	_ =	shalt  }

</sc_bundles>
